<compile_context>
chip_gen: v7x
topology: tpu7x:2x2x1
jax: 0.10.2.dev20260603
libtpu: 0.0.44.dev20260713+nightly
codegen_flags: <defaults>
</compile_context>

<pallas_src>
import functools

import jax
import jax.numpy as jnp
from jax.experimental import pallas as pl
from jax.experimental.pallas import tpu as pltpu
from jax.experimental.pallas import tpu_sc as plsc

D_MODEL = 4096
N_EXPERTS = 64
K = 8
LAMBDA_AUX = 1.0
LAMBDA_Z = 0.001

TOKENS = 4 * 2048
BLOCK_T = 1024


def _router_kernel(h_ref, w_ref, x_ref, p_ref, idx_ref, z_ref, stats_ref):
    i = pl.program_id(0)

    @pl.when(i == 0)
    def _init():
        stats_ref[...] = jnp.zeros_like(stats_ref)

    C = 256
    ids = jax.lax.broadcasted_iota(jnp.int32, (C, N_EXPERTS), 1).astype(jnp.float32)
    sum_p = jnp.zeros((1, N_EXPERTS), jnp.float32)
    zsq = jnp.float32(0.0)
    for c in range(BLOCK_T // C):
        sl = pl.ds(c * C, C)
        xs = jnp.dot(h_ref[sl, :], w_ref[...], preferred_element_type=jnp.float32)
        x_ref[sl, :] = xs
        e = jnp.exp(xs)
        s = jnp.sum(e, axis=1, keepdims=True)
        p = e / s
        p_ref[sl, :] = p
        z = jnp.log(s)
        z_ref[sl, :] = z
        zsq += jnp.sum(z * z)
        sum_p += jnp.sum(p, axis=0, keepdims=True)

        pm = p
        cols = []
        for _ in range(K):
            mx = jnp.max(pm, axis=1, keepdims=True)
            t = jnp.where(pm == mx, ids, 64.0)
            idxk = jnp.min(t, axis=1, keepdims=True)
            cols.append(idxk)
            pm = jnp.where(t == idxk, -1.0, pm)
        idx_ref[sl, :] = jnp.concatenate(cols, axis=1).astype(jnp.int32)

    stats_ref[0:1, :] += sum_p
    lane = jax.lax.broadcasted_iota(jnp.int32, (1, N_EXPERTS), 1)
    stats_ref[3:4, :] += jnp.where(lane == 0, zsq, 0.0)


def _tc_router(h2, wt):
    return pl.pallas_call(
        _router_kernel,
        grid=(TOKENS // BLOCK_T,),
        in_specs=[
            pl.BlockSpec((BLOCK_T, D_MODEL), lambda i: (i, 0)),
            pl.BlockSpec((D_MODEL, N_EXPERTS), lambda i: (0, 0)),
        ],
        out_specs=[
            pl.BlockSpec((BLOCK_T, N_EXPERTS), lambda i: (i, 0)),
            pl.BlockSpec((BLOCK_T, N_EXPERTS), lambda i: (i, 0)),
            pl.BlockSpec((BLOCK_T, K), lambda i: (i, 0)),
            pl.BlockSpec((BLOCK_T, 1), lambda i: (i, 0)),
            pl.BlockSpec((8, N_EXPERTS), lambda i: (0, 0)),
        ],
        out_shape=[
            jax.ShapeDtypeStruct((TOKENS, N_EXPERTS), jnp.float32),
            jax.ShapeDtypeStruct((TOKENS, N_EXPERTS), jnp.float32),
            jax.ShapeDtypeStruct((TOKENS, K), jnp.int32),
            jax.ShapeDtypeStruct((TOKENS, 1), jnp.float32),
            jax.ShapeDtypeStruct((8, N_EXPERTS), jnp.float32),
        ],
    )(h2, wt)


N_IDX = TOKENS * K
N_SUB = 16
PER_W = N_IDX // N_SUB


ROWS_W = N_IDX // 128 // N_SUB


def _sc_hist_kernel(idx_hbm, stats_hbm, fi_hbm, pi_hbm, scal_hbm,
                    idx_v, shared_hist, hist64_v, ones_v, stats_v, fi_v, pi_v,
                    scal_v):
    core = jax.lax.axis_index("c")
    sid = jax.lax.axis_index("s")

    @pl.when(core == 0)
    def _core0():
        pltpu.sync_copy(idx_hbm.at[pl.ds(sid * ROWS_W, ROWS_W), :], idx_v)
        ones = jnp.ones((16,), jnp.float32)
        for c in range(128 // 16):
            ones_v[pl.ds(c * 16, 16)] = ones
            hist64_v[pl.ds(c * 16, 16) if c < 4 else pl.ds(0, 16)] = (
                jnp.zeros((16,), jnp.float32))

        @pl.when(sid == 0)
        def _zero():
            pltpu.sync_copy(hist64_v, shared_hist)

        plsc.subcore_barrier()

        for j in range(ROWS_W):
            pltpu.sync_copy(ones_v, shared_hist.at[idx_v.at[j]], add=True)

        plsc.subcore_barrier()

        @pl.when(sid == 0)
        def _finalize():
            pltpu.sync_copy(shared_hist, hist64_v)
            pltpu.sync_copy(stats_hbm, stats_v)
            lsum = jnp.zeros((16,), jnp.float32)
            for c in range(N_EXPERTS // 16):
                f_c = hist64_v[pl.ds(c * 16, 16)] * jnp.float32(1.0 / N_IDX)
                p_c = stats_v[pl.ds(c * 16, 16)] * jnp.float32(1.0 / TOKENS)
                fi_v[pl.ds(c * 16, 16)] = f_c
                pi_v[pl.ds(c * 16, 16)] = p_c
                lsum = lsum + f_c * p_c
            l_aux = jnp.float32(N_EXPERTS) * jnp.sum(lsum)
            zrow = stats_v[pl.ds(3 * N_EXPERTS, 16)]
            l_z = jnp.sum(zrow) * jnp.float32(1.0 / TOKENS)
            loss = LAMBDA_AUX * l_aux + LAMBDA_Z * l_z
            li = jax.lax.iota(jnp.int32, 16)
            scal_v[...] = jnp.where(
                li == 0, l_aux, jnp.where(li == 1, l_z, jnp.where(li == 2, loss, 0.0))
            )
            pltpu.sync_copy(fi_v, fi_hbm)
            pltpu.sync_copy(pi_v, pi_hbm)
            pltpu.sync_copy(scal_v, scal_hbm)


@functools.partial(jax.jit, static_argnums=())
def _sc_hist(idx_flat, stats_flat):
    mesh = plsc.VectorSubcoreMesh(core_axis_name="c", subcore_axis_name="s")
    return pl.kernel(
        _sc_hist_kernel,
        mesh=mesh,
        compiler_params=pltpu.CompilerParams(needs_layout_passes=False),
        out_type=[
            jax.ShapeDtypeStruct((N_EXPERTS,), jnp.float32),
            jax.ShapeDtypeStruct((N_EXPERTS,), jnp.float32),
            jax.ShapeDtypeStruct((16,), jnp.float32),
        ],
        scratch_types=[
            pltpu.VMEM((ROWS_W, 128), jnp.int32),
            pltpu.VMEM_SHARED((N_EXPERTS,), jnp.float32),
            pltpu.VMEM((N_EXPERTS,), jnp.float32),
            pltpu.VMEM((128,), jnp.float32),
            pltpu.VMEM((8 * N_EXPERTS,), jnp.float32),
            pltpu.VMEM((N_EXPERTS,), jnp.float32),
            pltpu.VMEM((N_EXPERTS,), jnp.float32),
            pltpu.VMEM((16,), jnp.float32),
        ],
    )(idx_flat, stats_flat)


def kernel(h, W_g):
    b, s, d = h.shape
    h2 = h.reshape(TOKENS, D_MODEL)
    wt = W_g.T

    x, p, idx, z, stats = _tc_router(h2, wt)

    f_i, p_i, scal = _sc_hist(idx.reshape(N_IDX // 128, 128),
                              stats.reshape(8 * N_EXPERTS))

    x = x.reshape(b, s, N_EXPERTS)
    p = p.reshape(b, s, N_EXPERTS)
    indices = idx.reshape(b, s, K)
    z = z.reshape(b, s)
    l_aux = scal[0]
    l_z = scal[1]
    loss = scal[2]
    return (x, p, indices, f_i, p_i, z, l_aux, l_z, loss)

# --- scband reference (transcript-rebuilt; emitter-appended) ---
"""Pipeline reference for scband-router-collapse-prevention-4440996184666 (READ-ONLY COPY).

The authoritative reference and input builder live on the scoring server;
editing this copy changes nothing except your own understanding.
"""

import jax, jax.numpy as jnp
import numpy as np

D_MODEL = 4096
N_EXPERTS = 64
K = 8
LAMBDA_AUX = 1.0
LAMBDA_Z = 0.001


def setup_inputs(seed: int = 0) -> dict:
    key = jax.random.key(seed)
    k1, k2 = jax.random.split(key)
    h = jax.random.normal(k1, (4, 2048, D_MODEL), dtype=jnp.float32)
    # nn.Linear(d_model, n_experts, bias=False) weight shape: (n_experts, d_model), init std=0.02
    W_g = jax.random.normal(k2, (N_EXPERTS, D_MODEL), dtype=jnp.float32) * 0.02
    return {"h": h, "W_g": W_g}


def reference(h, W_g):
    # router projection: x = h @ W_g^T
    x = jnp.einsum('bsd,ed->bse', h, W_g)
    p = jax.nn.softmax(x, axis=-1)
    # top-k over expert probabilities
    _, indices = jax.lax.top_k(p, K)
    # load-balancing loss (token_mask=None -> all tokens valid)
    p_flat = p.reshape(-1, N_EXPERTS)
    indices_flat = indices.reshape(-1, K)
    P_i = p_flat.mean(axis=0)
    idx_all = indices_flat.reshape(-1)
    counts = jnp.zeros((N_EXPERTS,), dtype=p.dtype).at[idx_all].add(jnp.ones((idx_all.shape[0],), dtype=p.dtype))
    f_i = counts / idx_all.shape[0]
    L_aux = float(N_EXPERTS) * jnp.sum(f_i * P_i)
    # router z-loss
    z = jax.nn.logsumexp(x, axis=-1)
    L_z = jnp.mean(jnp.square(z))
    loss = LAMBDA_AUX * L_aux + LAMBDA_Z * L_z
    return (x, p, indices, f_i, P_i, z, L_aux, L_z, loss)

if __name__ == "__main__":
    import jax
    _d = setup_inputs()
    print(jax.jit(kernel)(*tuple(_d.values())))

</pallas_src>

<mosaic_0001>
#map = affine_map<(d0, d1) -> (0, 0)>
#map1 = affine_map<(d0, d1) -> (0)>
module attributes {stable_mosaic.version = 14 : i64} {
  func.func @_sc_hist_kernel(%arg0: i32, %arg1: i32, %arg2: memref<512x128xi32, #tpu.memory_space<hbm>>, %arg3: memref<512xf32, #tpu.memory_space<hbm>>, %arg4: memref<64xf32, #tpu.memory_space<hbm>>, %arg5: memref<64xf32, #tpu.memory_space<hbm>>, %arg6: memref<16xf32, #tpu.memory_space<hbm>>, %arg7: memref<32x128xi32, #tpu.memory_space<vmem>>, %arg8: memref<64xf32, #tpu.memory_space<vmem_shared>>, %arg9: memref<64xf32, #tpu.memory_space<vmem>>, %arg10: memref<128xf32, #tpu.memory_space<vmem>>, %arg11: memref<512xf32, #tpu.memory_space<vmem>>, %arg12: memref<64xf32, #tpu.memory_space<vmem>>, %arg13: memref<64xf32, #tpu.memory_space<vmem>>, %arg14: memref<16xf32, #tpu.memory_space<vmem>>) attributes {dimension_semantics = [#tpu.dimension_semantics<core_parallel>, #tpu.dimension_semantics<subcore_parallel>], iteration_bounds = array<i64: 2, 16>, scalar_prefetch = 0 : i64, scratch_operands = 8 : i64, tpu.core_type = #tpu.core_type<sc_vector_subcore>, window_params = [{transform_indices = #map}, {transform_indices = #map1}, {transform_indices = #map1}, {transform_indices = #map1}, {transform_indices = #map1}]} {
    %eq3A = arith.constant 0 : i32
    %eq3A_0 = arith.cmpi eq, %arg0, %eq3A : i32
    %convert_element_type3A = arith.extui %eq3A_0 : i1 to i32
    %cond3A = arith.constant 0 : i32
    %cond3A_1 = arith.cmpi ne, %convert_element_type3A, %cond3A : i32
    scf.if %cond3A_1 {
      %mul3A = arith.constant 32 : i32
      %mul3A_2 = arith.muli %arg1, %mul3A : i32
      "tpu.region"() ({
        %run_scoped3A_93 = tpu.sem_alloc : memref<!tpu.dma_semaphore, #tpu.memory_space<semaphore_mem>>
        %dma_start3A = arith.constant 0 : i32
        %dma_start3A_94 = tpu.memref_slice %arg2[%mul3A_2, %dma_start3A] : memref<512x128xi32, #tpu.memory_space<hbm>> -> memref<32x128xi32, #tpu.memory_space<hbm>>
        %dma_start3A_95 = arith.constant 0 : i32
        %dma_start3A_96 = tpu.memref_slice %arg2[%mul3A_2, %dma_start3A_95] : memref<512x128xi32, #tpu.memory_space<hbm>> -> memref<32x128xi32, #tpu.memory_space<hbm>>
        tpu.enqueue_dma source(%dma_start3A_96 : memref<32x128xi32, #tpu.memory_space<hbm>>) target(%arg7 : memref<32x128xi32, #tpu.memory_space<vmem>>) target_semaphore(%run_scoped3A_93 : memref<!tpu.dma_semaphore, #tpu.memory_space<semaphore_mem>>)
        %dma_wait3A = arith.constant 0 : i32
        %dma_wait3A_97 = tpu.memref_slice %arg2[%mul3A_2, %dma_wait3A] : memref<512x128xi32, #tpu.memory_space<hbm>> -> memref<32x128xi32, #tpu.memory_space<hbm>>
        %dma_wait3A_98 = arith.constant 0 : i32
        %dma_wait3A_99 = tpu.memref_slice %arg2[%mul3A_2, %dma_wait3A_98] : memref<512x128xi32, #tpu.memory_space<hbm>> -> memref<32x128xi32, #tpu.memory_space<hbm>>
        tpu.wait_dma2 semaphore(%run_scoped3A_93 : memref<!tpu.dma_semaphore, #tpu.memory_space<semaphore_mem>>) src(%dma_wait3A_99 : memref<32x128xi32, #tpu.memory_space<hbm>>) dst(%arg7 : memref<32x128xi32, #tpu.memory_space<vmem>>)
        tpu.yield
      }) : () -> ()
      %broadcast_in_dim3A = arith.constant 1.000000e+00 : f32
      %broadcast_in_dim3A_3 = vector.broadcast %broadcast_in_dim3A : f32 to vector<16xf32>
      %swap3A = arith.constant 0 : index
      %swap3A_4 = tpu.vector_load %arg10[%swap3A] {strides = array<i32>} : memref<128xf32, #tpu.memory_space<vmem>>, vector<16xf32>,
      tpu.vector_store %arg10[%swap3A], %broadcast_in_dim3A_3 {strides = array<i32>} : memref<128xf32, #tpu.memory_space<vmem>>, vector<16xf32>,
      %broadcast_in_dim3A_5 = arith.constant 0.000000e+00 : f32
      %broadcast_in_dim3A_6 = vector.broadcast %broadcast_in_dim3A_5 : f32 to vector<16xf32>
      %swap3A_7 = arith.constant 0 : index
      %swap3A_8 = tpu.vector_load %arg9[%swap3A_7] {strides = array<i32>} : memref<64xf32, #tpu.memory_space<vmem>>, vector<16xf32>,
      tpu.vector_store %arg9[%swap3A_7], %broadcast_in_dim3A_6 {strides = array<i32>} : memref<64xf32, #tpu.memory_space<vmem>>, vector<16xf32>,
      %swap3A_9 = arith.constant 16 : index
      %swap3A_10 = tpu.vector_load %arg10[%swap3A_9] {strides = array<i32>} : memref<128xf32, #tpu.memory_space<vmem>>, vector<16xf32>,
      tpu.vector_store %arg10[%swap3A_9], %broadcast_in_dim3A_3 {strides = array<i32>} : memref<128xf32, #tpu.memory_space<vmem>>, vector<16xf32>,
      %broadcast_in_dim3A_11 = arith.constant 0.000000e+00 : f32
      %broadcast_in_dim3A_12 = vector.broadcast %broadcast_in_dim3A_11 : f32 to vector<16xf32>
      %swap3A_13 = arith.constant 16 : index
      %swap3A_14 = tpu.vector_load %arg9[%swap3A_13] {strides = array<i32>} : memref<64xf32, #tpu.memory_space<vmem>>, vector<16xf32>,
      tpu.vector_store %arg9[%swap3A_13], %broadcast_in_dim3A_12 {strides = array<i32>} : memref<64xf32, #tpu.memory_space<vmem>>, vector<16xf32>,
      %swap3A_15 = arith.constant 32 : index
      %swap3A_16 = tpu.vector_load %arg10[%swap3A_15] {strides = array<i32>} : memref<128xf32, #tpu.memory_space<vmem>>, vector<16xf32>,
      tpu.vector_store %arg10[%swap3A_15], %broadcast_in_dim3A_3 {strides = array<i32>} : memref<128xf32, #tpu.memory_space<vmem>>, vector<16xf32>,
      %broadcast_in_dim3A_17 = arith.constant 0.000000e+00 : f32
      %broadcast_in_dim3A_18 = vector.broadcast %broadcast_in_dim3A_17 : f32 to vector<16xf32>
      %swap3A_19 = arith.constant 32 : index
      %swap3A_20 = tpu.vector_load %arg9[%swap3A_19] {strides = array<i32>} : memref<64xf32, #tpu.memory_space<vmem>>, vector<16xf32>,
      tpu.vector_store %arg9[%swap3A_19], %broadcast_in_dim3A_18 {strides = array<i32>} : memref<64xf32, #tpu.memory_space<vmem>>, vector<16xf32>,
      %swap3A_21 = arith.constant 48 : index
      %swap3A_22 = tpu.vector_load %arg10[%swap3A_21] {strides = array<i32>} : memref<128xf32, #tpu.memory_space<vmem>>, vector<16xf32>,
      tpu.vector_store %arg10[%swap3A_21], %broadcast_in_dim3A_3 {strides = array<i32>} : memref<128xf32, #tpu.memory_space<vmem>>, vector<16xf32>,
      %broadcast_in_dim3A_23 = arith.constant 0.000000e+00 : f32
      %broadcast_in_dim3A_24 = vector.broadcast %broadcast_in_dim3A_23 : f32 to vector<16xf32>
      %swap3A_25 = arith.constant 48 : index
      %swap3A_26 = tpu.vector_load %arg9[%swap3A_25] {strides = array<i32>} : memref<64xf32, #tpu.memory_space<vmem>>, vector<16xf32>,
      tpu.vector_store %arg9[%swap3A_25], %broadcast_in_dim3A_24 {strides = array<i32>} : memref<64xf32, #tpu.memory_space<vmem>>, vector<16xf32>,
      %swap3A_27 = arith.constant 64 : index
      %swap3A_28 = tpu.vector_load %arg10[%swap3A_27] {strides = array<i32>} : memref<128xf32, #tpu.memory_space<vmem>>, vector<16xf32>,
      tpu.vector_store %arg10[%swap3A_27], %broadcast_in_dim3A_3 {strides = array<i32>} : memref<128xf32, #tpu.memory_space<vmem>>, vector<16xf32>,
      %broadcast_in_dim3A_29 = arith.constant 0.000000e+00 : f32
      %broadcast_in_dim3A_30 = vector.broadcast %broadcast_in_dim3A_29 : f32 to vector<16xf32>
      %swap3A_31 = arith.constant 0 : index
      %swap3A_32 = tpu.vector_load %arg9[%swap3A_31] {strides = array<i32>} : memref<64xf32, #tpu.memory_space<vmem>>, vector<16xf32>,
      tpu.vector_store %arg9[%swap3A_31], %broadcast_in_dim3A_30 {strides = array<i32>} : memref<64xf32, #tpu.memory_space<vmem>>, vector<16xf32>,
      %swap3A_33 = arith.constant 80 : index
      %swap3A_34 = tpu.vector_load %arg10[%swap3A_33] {strides = array<i32>} : memref<128xf32, #tpu.memory_space<vmem>>, vector<16xf32>,
      tpu.vector_store %arg10[%swap3A_33], %broadcast_in_dim3A_3 {strides = array<i32>} : memref<128xf32, #tpu.memory_space<vmem>>, vector<16xf32>,
      %broadcast_in_dim3A_35 = arith.constant 0.000000e+00 : f32
      %broadcast_in_dim3A_36 = vector.broadcast %broadcast_in_dim3A_35 : f32 to vector<16xf32>
      %swap3A_37 = arith.constant 0 : index
      %swap3A_38 = tpu.vector_load %arg9[%swap3A_37] {strides = array<i32>} : memref<64xf32, #tpu.memory_space<vmem>>, vector<16xf32>,
      tpu.vector_store %arg9[%swap3A_37], %broadcast_in_dim3A_36 {strides = array<i32>} : memref<64xf32, #tpu.memory_space<vmem>>, vector<16xf32>,
      %swap3A_39 = arith.constant 96 : index
      %swap3A_40 = tpu.vector_load %arg10[%swap3A_39] {strides = array<i32>} : memref<128xf32, #tpu.memory_space<vmem>>, vector<16xf32>,
      tpu.vector_store %arg10[%swap3A_39], %broadcast_in_dim3A_3 {strides = array<i32>} : memref<128xf32, #tpu.memory_space<vmem>>, vector<16xf32>,
      %broadcast_in_dim3A_41 = arith.constant 0.000000e+00 : f32
      %broadcast_in_dim3A_42 = vector.broadcast %broadcast_in_dim3A_41 : f32 to vector<16xf32>
      %swap3A_43 = arith.constant 0 : index
      %swap3A_44 = tpu.vector_load %arg9[%swap3A_43] {strides = array<i32>} : memref<64xf32, #tpu.memory_space<vmem>>, vector<16xf32>,
      tpu.vector_store %arg9[%swap3A_43], %broadcast_in_dim3A_42 {strides = array<i32>} : memref<64xf32, #tpu.memory_space<vmem>>, vector<16xf32>,
      %swap3A_45 = arith.constant 112 : index
      %swap3A_46 = tpu.vector_load %arg10[%swap3A_45] {strides = array<i32>} : memref<128xf32, #tpu.memory_space<vmem>>, vector<16xf32>,
      tpu.vector_store %arg10[%swap3A_45], %broadcast_in_dim3A_3 {strides = array<i32>} : memref<128xf32, #tpu.memory_space<vmem>>, vector<16xf32>,
      %broadcast_in_dim3A_47 = arith.constant 0.000000e+00 : f32
      %broadcast_in_dim3A_48 = vector.broadcast %broadcast_in_dim3A_47 : f32 to vector<16xf32>
      %swap3A_49 = arith.constant 0 : index
      %swap3A_50 = tpu.vector_load %arg9[%swap3A_49] {strides = array<i32>} : memref<64xf32, #tpu.memory_space<vmem>>, vector<16xf32>,
      tpu.vector_store %arg9[%swap3A_49], %broadcast_in_dim3A_48 {strides = array<i32>} : memref<64xf32, #tpu.memory_space<vmem>>, vector<16xf32>,
      %eq3A_51 = arith.constant 0 : i32
      %eq3A_52 = arith.cmpi eq, %arg1, %eq3A_51 : i32
      %convert_element_type3A_53 = arith.extui %eq3A_52 : i1 to i32
      %cond3A_54 = arith.constant 0 : i32
      %cond3A_55 = arith.cmpi ne, %convert_element_type3A_53, %cond3A_54 : i32
      scf.if %cond3A_55 {
        "tpu.region"() ({
          %run_scoped3A_93 = tpu.sem_alloc : memref<!tpu.dma_semaphore, #tpu.memory_space<semaphore_mem>>
          tpu.enqueue_dma source(%arg9 : memref<64xf32, #tpu.memory_space<vmem>>) target(%arg8 : memref<64xf32, #tpu.memory_space<vmem_shared>>) target_semaphore(%run_scoped3A_93 : memref<!tpu.dma_semaphore, #tpu.memory_space<semaphore_mem>>)
          tpu.wait_dma2 semaphore(%run_scoped3A_93 : memref<!tpu.dma_semaphore, #tpu.memory_space<semaphore_mem>>) src(%arg9 : memref<64xf32, #tpu.memory_space<vmem>>) dst(%arg8 : memref<64xf32, #tpu.memory_space<vmem_shared>>)
          tpu.yield
        }) : () -> ()
      } else {
      }
      %barrier3A = arith.constant 0 : index
      tpu.barrier barrier_id(%barrier3A)
      %run_scoped3A = arith.constant 0 : i32
      "tpu.region"() ({
        %run_scoped3A_93 = tpu.sem_alloc : memref<!tpu.dma_semaphore, #tpu.memory_space<semaphore_mem>>
        %dma_start3A = arith.constant 0 : i32
        %dma_start3A_94 = tpu.memref_slice %arg7[%run_scoped3A, %dma_start3A] : memref<32x128xi32, #tpu.memory_space<vmem>> -> memref<1x128xi32, #tpu.memory_space<vmem>>
        %dma_start3A_95 = tpu.memref_squeeze %dma_start3A_94 : memref<1x128xi32, #tpu.memory_space<vmem>> -> memref<128xi32, #tpu.memory_space<vmem>>
        %dma_start3A_96 = arith.constant 0 : i32
        %dma_start3A_97 = tpu.memref_slice %arg8[%dma_start3A_96] : memref<64xf32, #tpu.memory_space<vmem_shared>> -> memref<64xf32, #tpu.memory_space<vmem_shared>>
        tpu.enqueue_indirect_dma source(%arg10 : memref<128xf32, #tpu.memory_space<vmem>>) target(%dma_start3A_97 : memref<64xf32, #tpu.memory_space<vmem_shared>>) offsets(%dma_start3A_95 : memref<128xi32, #tpu.memory_space<vmem>>) semaphore(%run_scoped3A_93 : memref<!tpu.dma_semaphore, #tpu.memory_space<semaphore_mem>>) {add = true}
        %dma_wait3A = arith.constant 0 : i32
        %dma_wait3A_98 = tpu.memref_slice %arg7[%run_scoped3A, %dma_wait3A] : memref<32x128xi32, #tpu.memory_space<vmem>> -> memref<1x128xi32, #tpu.memory_space<vmem>>
        %dma_wait3A_99 = tpu.memref_squeeze %dma_wait3A_98 : memref<1x128xi32, #tpu.memory_space<vmem>> -> memref<128xi32, #tpu.memory_space<vmem>>
        %dma_wait3A_100 = arith.constant 0 : i32
        %dma_wait3A_101 = tpu.memref_slice %arg8[%dma_wait3A_100] : memref<64xf32, #tpu.memory_space<vmem_shared>> -> memref<64xf32, #tpu.memory_space<vmem_shared>>
        tpu.wait_indirect_dma semaphore(%run_scoped3A_93 : memref<!tpu.dma_semaphore, #tpu.memory_space<semaphore_mem>>) src(%arg10 : memref<128xf32, #tpu.memory_space<vmem>>) dst(%dma_wait3A_101 : memref<64xf32, #tpu.memory_space<vmem_shared>>)
        tpu.yield
      }) : () -> ()
      %run_scoped3A_56 = arith.constant 1 : i32
      "tpu.region"() ({
        %run_scoped3A_93 = tpu.sem_alloc : memref<!tpu.dma_semaphore, #tpu.memory_space<semaphore_mem>>
        %dma_start3A = arith.constant 0 : i32
        %dma_start3A_94 = tpu.memref_slice %arg7[%run_scoped3A_56, %dma_start3A] : memref<32x128xi32, #tpu.memory_space<vmem>> -> memref<1x128xi32, #tpu.memory_space<vmem>>
        %dma_start3A_95 = tpu.memref_squeeze %dma_start3A_94 : memref<1x128xi32, #tpu.memory_space<vmem>> -> memref<128xi32, #tpu.memory_space<vmem>>
        %dma_start3A_96 = arith.constant 0 : i32
        %dma_start3A_97 = tpu.memref_slice %arg8[%dma_start3A_96] : memref<64xf32, #tpu.memory_space<vmem_shared>> -> memref<64xf32, #tpu.memory_space<vmem_shared>>
        tpu.enqueue_indirect_dma source(%arg10 : memref<128xf32, #tpu.memory_space<vmem>>) target(%dma_start3A_97 : memref<64xf32, #tpu.memory_space<vmem_shared>>) offsets(%dma_start3A_95 : memref<128xi32, #tpu.memory_space<vmem>>) semaphore(%run_scoped3A_93 : memref<!tpu.dma_semaphore, #tpu.memory_space<semaphore_mem>>) {add = true}
        %dma_wait3A = arith.constant 0 : i32
        %dma_wait3A_98 = tpu.memref_slice %arg7[%run_scoped3A_56, %dma_wait3A] : memref<32x128xi32, #tpu.memory_space<vmem>> -> memref<1x128xi32, #tpu.memory_space<vmem>>
        %dma_wait3A_99 = tpu.memref_squeeze %dma_wait3A_98 : memref<1x128xi32, #tpu.memory_space<vmem>> -> memref<128xi32, #tpu.memory_space<vmem>>
        %dma_wait3A_100 = arith.constant 0 : i32
        %dma_wait3A_101 = tpu.memref_slice %arg8[%dma_wait3A_100] : memref<64xf32, #tpu.memory_space<vmem_shared>> -> memref<64xf32, #tpu.memory_space<vmem_shared>>
        tpu.wait_indirect_dma semaphore(%run_scoped3A_93 : memref<!tpu.dma_semaphore, #tpu.memory_space<semaphore_mem>>) src(%arg10 : memref<128xf32, #tpu.memory_space<vmem>>) dst(%dma_wait3A_101 : memref<64xf32, #tpu.memory_space<vmem_shared>>)
        tpu.yield
      }) : () -> ()
      %run_scoped3A_57 = arith.constant 2 : i32
      "tpu.region"() ({
        %run_scoped3A_93 = tpu.sem_alloc : memref<!tpu.dma_semaphore, #tpu.memory_space<semaphore_mem>>
        %dma_start3A = arith.constant 0 : i32
        %dma_start3A_94 = tpu.memref_slice %arg7[%run_scoped3A_57, %dma_start3A] : memref<32x128xi32, #tpu.memory_space<vmem>> -> memref<1x128xi32, #tpu.memory_space<vmem>>
        %dma_start3A_95 = tpu.memref_squeeze %dma_start3A_94 : memref<1x128xi32, #tpu.memory_space<vmem>> -> memref<128xi32, #tpu.memory_space<vmem>>
        %dma_start3A_96 = arith.constant 0 : i32
        %dma_start3A_97 = tpu.memref_slice %arg8[%dma_start3A_96] : memref<64xf32, #tpu.memory_space<vmem_shared>> -> memref<64xf32, #tpu.memory_space<vmem_shared>>
        tpu.enqueue_indirect_dma source(%arg10 : memref<128xf32, #tpu.memory_space<vmem>>) target(%dma_start3A_97 : memref<64xf32, #tpu.memory_space<vmem_shared>>) offsets(%dma_start3A_95 : memref<128xi32, #tpu.memory_space<vmem>>) semaphore(%run_scoped3A_93 : memref<!tpu.dma_semaphore, #tpu.memory_space<semaphore_mem>>) {add = true}
        %dma_wait3A = arith.constant 0 : i32
        %dma_wait3A_98 = tpu.memref_slice %arg7[%run_scoped3A_57, %dma_wait3A] : memref<32x128xi32, #tpu.memory_space<vmem>> -> memref<1x128xi32, #tpu.memory_space<vmem>>
        %dma_wait3A_99 = tpu.memref_squeeze %dma_wait3A_98 : memref<1x128xi32, #tpu.memory_space<vmem>> -> memref<128xi32, #tpu.memory_space<vmem>>
        %dma_wait3A_100 = arith.constant 0 : i32
        %dma_wait3A_101 = tpu.memref_slice %arg8[%dma_wait3A_100] : memref<64xf32, #tpu.memory_space<vmem_shared>> -> memref<64xf32, #tpu.memory_space<vmem_shared>>
        tpu.wait_indirect_dma semaphore(%run_scoped3A_93 : memref<!tpu.dma_semaphore, #tpu.memory_space<semaphore_mem>>) src(%arg10 : memref<128xf32, #tpu.memory_space<vmem>>) dst(%dma_wait3A_101 : memref<64xf32, #tpu.memory_space<vmem_shared>>)
        tpu.yield
      }) : () -> ()
      %run_scoped3A_58 = arith.constant 3 : i32
      "tpu.region"() ({
        %run_scoped3A_93 = tpu.sem_alloc : memref<!tpu.dma_semaphore, #tpu.memory_space<semaphore_mem>>
        %dma_start3A = arith.constant 0 : i32
        %dma_start3A_94 = tpu.memref_slice %arg7[%run_scoped3A_58, %dma_start3A] : memref<32x128xi32, #tpu.memory_space<vmem>> -> memref<1x128xi32, #tpu.memory_space<vmem>>
        %dma_start3A_95 = tpu.memref_squeeze %dma_start3A_94 : memref<1x128xi32, #tpu.memory_space<vmem>> -> memref<128xi32, #tpu.memory_space<vmem>>
        %dma_start3A_96 = arith.constant 0 : i32
        %dma_start3A_97 = tpu.memref_slice %arg8[%dma_start3A_96] : memref<64xf32, #tpu.memory_space<vmem_shared>> -> memref<64xf32, #tpu.memory_space<vmem_shared>>
        tpu.enqueue_indirect_dma source(%arg10 : memref<128xf32, #tpu.memory_space<vmem>>) target(%dma_start3A_97 : memref<64xf32, #tpu.memory_space<vmem_shared>>) offsets(%dma_start3A_95 : memref<128xi32, #tpu.memory_space<vmem>>) semaphore(%run_scoped3A_93 : memref<!tpu.dma_semaphore, #tpu.memory_space<semaphore_mem>>) {add = true}
        %dma_wait3A = arith.constant 0 : i32
        %dma_wait3A_98 = tpu.memref_slice %arg7[%run_scoped3A_58, %dma_wait3A] : memref<32x128xi32, #tpu.memory_space<vmem>> -> memref<1x128xi32, #tpu.memory_space<vmem>>
        %dma_wait3A_99 = tpu.memref_squeeze %dma_wait3A_98 : memref<1x128xi32, #tpu.memory_space<vmem>> -> memref<128xi32, #tpu.memory_space<vmem>>
        %dma_wait3A_100 = arith.constant 0 : i32
        %dma_wait3A_101 = tpu.memref_slice %arg8[%dma_wait3A_100] : memref<64xf32, #tpu.memory_space<vmem_shared>> -> memref<64xf32, #tpu.memory_space<vmem_shared>>
        tpu.wait_indirect_dma semaphore(%run_scoped3A_93 : memref<!tpu.dma_semaphore, #tpu.memory_space<semaphore_mem>>) src(%arg10 : memref<128xf32, #tpu.memory_space<vmem>>) dst(%dma_wait3A_101 : memref<64xf32, #tpu.memory_space<vmem_shared>>)
        tpu.yield
      }) : () -> ()
      %run_scoped3A_59 = arith.constant 4 : i32
      "tpu.region"() ({
        %run_scoped3A_93 = tpu.sem_alloc : memref<!tpu.dma_semaphore, #tpu.memory_space<semaphore_mem>>
        %dma_start3A = arith.constant 0 : i32
        %dma_start3A_94 = tpu.memref_slice %arg7[%run_scoped3A_59, %dma_start3A] : memref<32x128xi32, #tpu.memory_space<vmem>> -> memref<1x128xi32, #tpu.memory_space<vmem>>
        %dma_start3A_95 = tpu.memref_squeeze %dma_start3A_94 : memref<1x128xi32, #tpu.memory_space<vmem>> -> memref<128xi32, #tpu.memory_space<vmem>>
        %dma_start3A_96 = arith.constant 0 : i32
        %dma_start3A_97 = tpu.memref_slice %arg8[%dma_start3A_96] : memref<64xf32, #tpu.memory_space<vmem_shared>> -> memref<64xf32, #tpu.memory_space<vmem_shared>>
        tpu.enqueue_indirect_dma source(%arg10 : memref<128xf32, #tpu.memory_space<vmem>>) target(%dma_start3A_97 : memref<64xf32, #tpu.memory_space<vmem_shared>>) offsets(%dma_start3A_95 : memref<128xi32, #tpu.memory_space<vmem>>) semaphore(%run_scoped3A_93 : memref<!tpu.dma_semaphore, #tpu.memory_space<semaphore_mem>>) {add = true}
        %dma_wait3A = arith.constant 0 : i32
        %dma_wait3A_98 = tpu.memref_slice %arg7[%run_scoped3A_59, %dma_wait3A] : memref<32x128xi32, #tpu.memory_space<vmem>> -> memref<1x128xi32, #tpu.memory_space<vmem>>
        %dma_wait3A_99 = tpu.memref_squeeze %dma_wait3A_98 : memref<1x128xi32, #tpu.memory_space<vmem>> -> memref<128xi32, #tpu.memory_space<vmem>>
        %dma_wait3A_100 = arith.constant 0 : i32
        %dma_wait3A_101 = tpu.memref_slice %arg8[%dma_wait3A_100] : memref<64xf32, #tpu.memory_space<vmem_shared>> -> memref<64xf32, #tpu.memory_space<vmem_shared>>
        tpu.wait_indirect_dma semaphore(%run_scoped3A_93 : memref<!tpu.dma_semaphore, #tpu.memory_space<semaphore_mem>>) src(%arg10 : memref<128xf32, #tpu.memory_space<vmem>>) dst(%dma_wait3A_101 : memref<64xf32, #tpu.memory_space<vmem_shared>>)
        tpu.yield
      }) : () -> ()
      %run_scoped3A_60 = arith.constant 5 : i32
      "tpu.region"() ({
        %run_scoped3A_93 = tpu.sem_alloc : memref<!tpu.dma_semaphore, #tpu.memory_space<semaphore_mem>>
        %dma_start3A = arith.constant 0 : i32
        %dma_start3A_94 = tpu.memref_slice %arg7[%run_scoped3A_60, %dma_start3A] : memref<32x128xi32, #tpu.memory_space<vmem>> -> memref<1x128xi32, #tpu.memory_space<vmem>>
        %dma_start3A_95 = tpu.memref_squeeze %dma_start3A_94 : memref<1x128xi32, #tpu.memory_space<vmem>> -> memref<128xi32, #tpu.memory_space<vmem>>
        %dma_start3A_96 = arith.constant 0 : i32
        %dma_start3A_97 = tpu.memref_slice %arg8[%dma_start3A_96] : memref<64xf32, #tpu.memory_space<vmem_shared>> -> memref<64xf32, #tpu.memory_space<vmem_shared>>
        tpu.enqueue_indirect_dma source(%arg10 : memref<128xf32, #tpu.memory_space<vmem>>) target(%dma_start3A_97 : memref<64xf32, #tpu.memory_space<vmem_shared>>) offsets(%dma_start3A_95 : memref<128xi32, #tpu.memory_space<vmem>>) semaphore(%run_scoped3A_93 : memref<!tpu.dma_semaphore, #tpu.memory_space<semaphore_mem>>) {add = true}
        %dma_wait3A = arith.constant 0 : i32
        %dma_wait3A_98 = tpu.memref_slice %arg7[%run_scoped3A_60, %dma_wait3A] : memref<32x128xi32, #tpu.memory_space<vmem>> -> memref<1x128xi32, #tpu.memory_space<vmem>>
        %dma_wait3A_99 = tpu.memref_squeeze %dma_wait3A_98 : memref<1x128xi32, #tpu.memory_space<vmem>> -> memref<128xi32, #tpu.memory_space<vmem>>
        %dma_wait3A_100 = arith.constant 0 : i32
        %dma_wait3A_101 = tpu.memref_slice %arg8[%dma_wait3A_100] : memref<64xf32, #tpu.memory_space<vmem_shared>> -> memref<64xf32, #tpu.memory_space<vmem_shared>>
        tpu.wait_indirect_dma semaphore(%run_scoped3A_93 : memref<!tpu.dma_semaphore, #tpu.memory_space<semaphore_mem>>) src(%arg10 : memref<128xf32, #tpu.memory_space<vmem>>) dst(%dma_wait3A_101 : memref<64xf32, #tpu.memory_space<vmem_shared>>)
        tpu.yield
      }) : () -> ()
      %run_scoped3A_61 = arith.constant 6 : i32
      "tpu.region"() ({
        %run_scoped3A_93 = tpu.sem_alloc : memref<!tpu.dma_semaphore, #tpu.memory_space<semaphore_mem>>
        %dma_start3A = arith.constant 0 : i32
        %dma_start3A_94 = tpu.memref_slice %arg7[%run_scoped3A_61, %dma_start3A] : memref<32x128xi32, #tpu.memory_space<vmem>> -> memref<1x128xi32, #tpu.memory_space<vmem>>
        %dma_start3A_95 = tpu.memref_squeeze %dma_start3A_94 : memref<1x128xi32, #tpu.memory_space<vmem>> -> memref<128xi32, #tpu.memory_space<vmem>>
        %dma_start3A_96 = arith.constant 0 : i32
        %dma_start3A_97 = tpu.memref_slice %arg8[%dma_start3A_96] : memref<64xf32, #tpu.memory_space<vmem_shared>> -> memref<64xf32, #tpu.memory_space<vmem_shared>>
        tpu.enqueue_indirect_dma source(%arg10 : memref<128xf32, #tpu.memory_space<vmem>>) target(%dma_start3A_97 : memref<64xf32, #tpu.memory_space<vmem_shared>>) offsets(%dma_start3A_95 : memref<128xi32, #tpu.memory_space<vmem>>) semaphore(%run_scoped3A_93 : memref<!tpu.dma_semaphore, #tpu.memory_space<semaphore_mem>>) {add = true}
        %dma_wait3A = arith.constant 0 : i32
        %dma_wait3A_98 = tpu.memref_slice %arg7[%run_scoped3A_61, %dma_wait3A] : memref<32x128xi32, #tpu.memory_space<vmem>> -> memref<1x128xi32, #tpu.memory_space<vmem>>
        %dma_wait3A_99 = tpu.memref_squeeze %dma_wait3A_98 : memref<1x128xi32, #tpu.memory_space<vmem>> -> memref<128xi32, #tpu.memory_space<vmem>>
        %dma_wait3A_100 = arith.constant 0 : i32
        %dma_wait3A_101 = tpu.memref_slice %arg8[%dma_wait3A_100] : memref<64xf32, #tpu.memory_space<vmem_shared>> -> memref<64xf32, #tpu.memory_space<vmem_shared>>
        tpu.wait_indirect_dma semaphore(%run_scoped3A_93 : memref<!tpu.dma_semaphore, #tpu.memory_space<semaphore_mem>>) src(%arg10 : memref<128xf32, #tpu.memory_space<vmem>>) dst(%dma_wait3A_101 : memref<64xf32, #tpu.memory_space<vmem_shared>>)
        tpu.yield
      }) : () -> ()
      %run_scoped3A_62 = arith.constant 7 : i32
      "tpu.region"() ({
        %run_scoped3A_93 = tpu.sem_alloc : memref<!tpu.dma_semaphore, #tpu.memory_space<semaphore_mem>>
        %dma_start3A = arith.constant 0 : i32
        %dma_start3A_94 = tpu.memref_slice %arg7[%run_scoped3A_62, %dma_start3A] : memref<32x128xi32, #tpu.memory_space<vmem>> -> memref<1x128xi32, #tpu.memory_space<vmem>>
        %dma_start3A_95 = tpu.memref_squeeze %dma_start3A_94 : memref<1x128xi32, #tpu.memory_space<vmem>> -> memref<128xi32, #tpu.memory_space<vmem>>
        %dma_start3A_96 = arith.constant 0 : i32
        %dma_start3A_97 = tpu.memref_slice %arg8[%dma_start3A_96] : memref<64xf32, #tpu.memory_space<vmem_shared>> -> memref<64xf32, #tpu.memory_space<vmem_shared>>
        tpu.enqueue_indirect_dma source(%arg10 : memref<128xf32, #tpu.memory_space<vmem>>) target(%dma_start3A_97 : memref<64xf32, #tpu.memory_space<vmem_shared>>) offsets(%dma_start3A_95 : memref<128xi32, #tpu.memory_space<vmem>>) semaphore(%run_scoped3A_93 : memref<!tpu.dma_semaphore, #tpu.memory_space<semaphore_mem>>) {add = true}
        %dma_wait3A = arith.constant 0 : i32
        %dma_wait3A_98 = tpu.memref_slice %arg7[%run_scoped3A_62, %dma_wait3A] : memref<32x128xi32, #tpu.memory_space<vmem>> -> memref<1x128xi32, #tpu.memory_space<vmem>>
        %dma_wait3A_99 = tpu.memref_squeeze %dma_wait3A_98 : memref<1x128xi32, #tpu.memory_space<vmem>> -> memref<128xi32, #tpu.memory_space<vmem>>
        %dma_wait3A_100 = arith.constant 0 : i32
        %dma_wait3A_101 = tpu.memref_slice %arg8[%dma_wait3A_100] : memref<64xf32, #tpu.memory_space<vmem_shared>> -> memref<64xf32, #tpu.memory_space<vmem_shared>>
        tpu.wait_indirect_dma semaphore(%run_scoped3A_93 : memref<!tpu.dma_semaphore, #tpu.memory_space<semaphore_mem>>) src(%arg10 : memref<128xf32, #tpu.memory_space<vmem>>) dst(%dma_wait3A_101 : memref<64xf32, #tpu.memory_space<vmem_shared>>)
        tpu.yield
      }) : () -> ()
      %run_scoped3A_63 = arith.constant 8 : i32
      "tpu.region"() ({
        %run_scoped3A_93 = tpu.sem_alloc : memref<!tpu.dma_semaphore, #tpu.memory_space<semaphore_mem>>
        %dma_start3A = arith.constant 0 : i32
        %dma_start3A_94 = tpu.memref_slice %arg7[%run_scoped3A_63, %dma_start3A] : memref<32x128xi32, #tpu.memory_space<vmem>> -> memref<1x128xi32, #tpu.memory_space<vmem>>
        %dma_start3A_95 = tpu.memref_squeeze %dma_start3A_94 : memref<1x128xi32, #tpu.memory_space<vmem>> -> memref<128xi32, #tpu.memory_space<vmem>>
        %dma_start3A_96 = arith.constant 0 : i32
        %dma_start3A_97 = tpu.memref_slice %arg8[%dma_start3A_96] : memref<64xf32, #tpu.memory_space<vmem_shared>> -> memref<64xf32, #tpu.memory_space<vmem_shared>>
        tpu.enqueue_indirect_dma source(%arg10 : memref<128xf32, #tpu.memory_space<vmem>>) target(%dma_start3A_97 : memref<64xf32, #tpu.memory_space<vmem_shared>>) offsets(%dma_start3A_95 : memref<128xi32, #tpu.memory_space<vmem>>) semaphore(%run_scoped3A_93 : memref<!tpu.dma_semaphore, #tpu.memory_space<semaphore_mem>>) {add = true}
        %dma_wait3A = arith.constant 0 : i32
        %dma_wait3A_98 = tpu.memref_slice %arg7[%run_scoped3A_63, %dma_wait3A] : memref<32x128xi32, #tpu.memory_space<vmem>> -> memref<1x128xi32, #tpu.memory_space<vmem>>
        %dma_wait3A_99 = tpu.memref_squeeze %dma_wait3A_98 : memref<1x128xi32, #tpu.memory_space<vmem>> -> memref<128xi32, #tpu.memory_space<vmem>>
        %dma_wait3A_100 = arith.constant 0 : i32
        %dma_wait3A_101 = tpu.memref_slice %arg8[%dma_wait3A_100] : memref<64xf32, #tpu.memory_space<vmem_shared>> -> memref<64xf32, #tpu.memory_space<vmem_shared>>
        tpu.wait_indirect_dma semaphore(%run_scoped3A_93 : memref<!tpu.dma_semaphore, #tpu.memory_space<semaphore_mem>>) src(%arg10 : memref<128xf32, #tpu.memory_space<vmem>>) dst(%dma_wait3A_101 : memref<64xf32, #tpu.memory_space<vmem_shared>>)
        tpu.yield
      }) : () -> ()
      %run_scoped3A_64 = arith.constant 9 : i32
      "tpu.region"() ({
        %run_scoped3A_93 = tpu.sem_alloc : memref<!tpu.dma_semaphore, #tpu.memory_space<semaphore_mem>>
        %dma_start3A = arith.constant 0 : i32
        %dma_start3A_94 = tpu.memref_slice %arg7[%run_scoped3A_64, %dma_start3A] : memref<32x128xi32, #tpu.memory_space<vmem>> -> memref<1x128xi32, #tpu.memory_space<vmem>>
        %dma_start3A_95 = tpu.memref_squeeze %dma_start3A_94 : memref<1x128xi32, #tpu.memory_space<vmem>> -> memref<128xi32, #tpu.memory_space<vmem>>
        %dma_start3A_96 = arith.constant 0 : i32
        %dma_start3A_97 = tpu.memref_slice %arg8[%dma_start3A_96] : memref<64xf32, #tpu.memory_space<vmem_shared>> -> memref<64xf32, #tpu.memory_space<vmem_shared>>
        tpu.enqueue_indirect_dma source(%arg10 : memref<128xf32, #tpu.memory_space<vmem>>) target(%dma_start3A_97 : memref<64xf32, #tpu.memory_space<vmem_shared>>) offsets(%dma_start3A_95 : memref<128xi32, #tpu.memory_space<vmem>>) semaphore(%run_scoped3A_93 : memref<!tpu.dma_semaphore, #tpu.memory_space<semaphore_mem>>) {add = true}
        %dma_wait3A = arith.constant 0 : i32
        %dma_wait3A_98 = tpu.memref_slice %arg7[%run_scoped3A_64, %dma_wait3A] : memref<32x128xi32, #tpu.memory_space<vmem>> -> memref<1x128xi32, #tpu.memory_space<vmem>>
        %dma_wait3A_99 = tpu.memref_squeeze %dma_wait3A_98 : memref<1x128xi32, #tpu.memory_space<vmem>> -> memref<128xi32, #tpu.memory_space<vmem>>
        %dma_wait3A_100 = arith.constant 0 : i32
        %dma_wait3A_101 = tpu.memref_slice %arg8[%dma_wait3A_100] : memref<64xf32, #tpu.memory_space<vmem_shared>> -> memref<64xf32, #tpu.memory_space<vmem_shared>>
        tpu.wait_indirect_dma semaphore(%run_scoped3A_93 : memref<!tpu.dma_semaphore, #tpu.memory_space<semaphore_mem>>) src(%arg10 : memref<128xf32, #tpu.memory_space<vmem>>) dst(%dma_wait3A_101 : memref<64xf32, #tpu.memory_space<vmem_shared>>)
        tpu.yield
      }) : () -> ()
      %run_scoped3A_65 = arith.constant 10 : i32
      "tpu.region"() ({
        %run_scoped3A_93 = tpu.sem_alloc : memref<!tpu.dma_semaphore, #tpu.memory_space<semaphore_mem>>
        %dma_start3A = arith.constant 0 : i32
        %dma_start3A_94 = tpu.memref_slice %arg7[%run_scoped3A_65, %dma_start3A] : memref<32x128xi32, #tpu.memory_space<vmem>> -> memref<1x128xi32, #tpu.memory_space<vmem>>
        %dma_start3A_95 = tpu.memref_squeeze %dma_start3A_94 : memref<1x128xi32, #tpu.memory_space<vmem>> -> memref<128xi32, #tpu.memory_space<vmem>>
        %dma_start3A_96 = arith.constant 0 : i32
        %dma_start3A_97 = tpu.memref_slice %arg8[%dma_start3A_96] : memref<64xf32, #tpu.memory_space<vmem_shared>> -> memref<64xf32, #tpu.memory_space<vmem_shared>>
        tpu.enqueue_indirect_dma source(%arg10 : memref<128xf32, #tpu.memory_space<vmem>>) target(%dma_start3A_97 : memref<64xf32, #tpu.memory_space<vmem_shared>>) offsets(%dma_start3A_95 : memref<128xi32, #tpu.memory_space<vmem>>) semaphore(%run_scoped3A_93 : memref<!tpu.dma_semaphore, #tpu.memory_space<semaphore_mem>>) {add = true}
        %dma_wait3A = arith.constant 0 : i32
        %dma_wait3A_98 = tpu.memref_slice %arg7[%run_scoped3A_65, %dma_wait3A] : memref<32x128xi32, #tpu.memory_space<vmem>> -> memref<1x128xi32, #tpu.memory_space<vmem>>
        %dma_wait3A_99 = tpu.memref_squeeze %dma_wait3A_98 : memref<1x128xi32, #tpu.memory_space<vmem>> -> memref<128xi32, #tpu.memory_space<vmem>>
        %dma_wait3A_100 = arith.constant 0 : i32
        %dma_wait3A_101 = tpu.memref_slice %arg8[%dma_wait3A_100] : memref<64xf32, #tpu.memory_space<vmem_shared>> -> memref<64xf32, #tpu.memory_space<vmem_shared>>
        tpu.wait_indirect_dma semaphore(%run_scoped3A_93 : memref<!tpu.dma_semaphore, #tpu.memory_space<semaphore_mem>>) src(%arg10 : memref<128xf32, #tpu.memory_space<vmem>>) dst(%dma_wait3A_101 : memref<64xf32, #tpu.memory_space<vmem_shared>>)
        tpu.yield
      }) : () -> ()
      %run_scoped3A_66 = arith.constant 11 : i32
      "tpu.region"() ({
        %run_scoped3A_93 = tpu.sem_alloc : memref<!tpu.dma_semaphore, #tpu.memory_space<semaphore_mem>>
        %dma_start3A = arith.constant 0 : i32
        %dma_start3A_94 = tpu.memref_slice %arg7[%run_scoped3A_66, %dma_start3A] : memref<32x128xi32, #tpu.memory_space<vmem>> -> memref<1x128xi32, #tpu.memory_space<vmem>>
        %dma_start3A_95 = tpu.memref_squeeze %dma_start3A_94 : memref<1x128xi32, #tpu.memory_space<vmem>> -> memref<128xi32, #tpu.memory_space<vmem>>
        %dma_start3A_96 = arith.constant 0 : i32
        %dma_start3A_97 = tpu.memref_slice %arg8[%dma_start3A_96] : memref<64xf32, #tpu.memory_space<vmem_shared>> -> memref<64xf32, #tpu.memory_space<vmem_shared>>
        tpu.enqueue_indirect_dma source(%arg10 : memref<128xf32, #tpu.memory_space<vmem>>) target(%dma_start3A_97 : memref<64xf32, #tpu.memory_space<vmem_shared>>) offsets(%dma_start3A_95 : memref<128xi32, #tpu.memory_space<vmem>>) semaphore(%run_scoped3A_93 : memref<!tpu.dma_semaphore, #tpu.memory_space<semaphore_mem>>) {add = true}
        %dma_wait3A = arith.constant 0 : i32
        %dma_wait3A_98 = tpu.memref_slice %arg7[%run_scoped3A_66, %dma_wait3A] : memref<32x128xi32, #tpu.memory_space<vmem>> -> memref<1x128xi32, #tpu.memory_space<vmem>>
        %dma_wait3A_99 = tpu.memref_squeeze %dma_wait3A_98 : memref<1x128xi32, #tpu.memory_space<vmem>> -> memref<128xi32, #tpu.memory_space<vmem>>
        %dma_wait3A_100 = arith.constant 0 : i32
        %dma_wait3A_101 = tpu.memref_slice %arg8[%dma_wait3A_100] : memref<64xf32, #tpu.memory_space<vmem_shared>> -> memref<64xf32, #tpu.memory_space<vmem_shared>>
        tpu.wait_indirect_dma semaphore(%run_scoped3A_93 : memref<!tpu.dma_semaphore, #tpu.memory_space<semaphore_mem>>) src(%arg10 : memref<128xf32, #tpu.memory_space<vmem>>) dst(%dma_wait3A_101 : memref<64xf32, #tpu.memory_space<vmem_shared>>)
        tpu.yield
      }) : () -> ()
      %run_scoped3A_67 = arith.constant 12 : i32
      "tpu.region"() ({
        %run_scoped3A_93 = tpu.sem_alloc : memref<!tpu.dma_semaphore, #tpu.memory_space<semaphore_mem>>
        %dma_start3A = arith.constant 0 : i32
        %dma_start3A_94 = tpu.memref_slice %arg7[%run_scoped3A_67, %dma_start3A] : memref<32x128xi32, #tpu.memory_space<vmem>> -> memref<1x128xi32, #tpu.memory_space<vmem>>
        %dma_start3A_95 = tpu.memref_squeeze %dma_start3A_94 : memref<1x128xi32, #tpu.memory_space<vmem>> -> memref<128xi32, #tpu.memory_space<vmem>>
        %dma_start3A_96 = arith.constant 0 : i32
        %dma_start3A_97 = tpu.memref_slice %arg8[%dma_start3A_96] : memref<64xf32, #tpu.memory_space<vmem_shared>> -> memref<64xf32, #tpu.memory_space<vmem_shared>>
        tpu.enqueue_indirect_dma source(%arg10 : memref<128xf32, #tpu.memory_space<vmem>>) target(%dma_start3A_97 : memref<64xf32, #tpu.memory_space<vmem_shared>>) offsets(%dma_start3A_95 : memref<128xi32, #tpu.memory_space<vmem>>) semaphore(%run_scoped3A_93 : memref<!tpu.dma_semaphore, #tpu.memory_space<semaphore_mem>>) {add = true}
        %dma_wait3A = arith.constant 0 : i32
        %dma_wait3A_98 = tpu.memref_slice %arg7[%run_scoped3A_67, %dma_wait3A] : memref<32x128xi32, #tpu.memory_space<vmem>> -> memref<1x128xi32, #tpu.memory_space<vmem>>
        %dma_wait3A_99 = tpu.memref_squeeze %dma_wait3A_98 : memref<1x128xi32, #tpu.memory_space<vmem>> -> memref<128xi32, #tpu.memory_space<vmem>>
        %dma_wait3A_100 = arith.constant 0 : i32
        %dma_wait3A_101 = tpu.memref_slice %arg8[%dma_wait3A_100] : memref<64xf32, #tpu.memory_space<vmem_shared>> -> memref<64xf32, #tpu.memory_space<vmem_shared>>
        tpu.wait_indirect_dma semaphore(%run_scoped3A_93 : memref<!tpu.dma_semaphore, #tpu.memory_space<semaphore_mem>>) src(%arg10 : memref<128xf32, #tpu.memory_space<vmem>>) dst(%dma_wait3A_101 : memref<64xf32, #tpu.memory_space<vmem_shared>>)
        tpu.yield
      }) : () -> ()
      %run_scoped3A_68 = arith.constant 13 : i32
      "tpu.region"() ({
        %run_scoped3A_93 = tpu.sem_alloc : memref<!tpu.dma_semaphore, #tpu.memory_space<semaphore_mem>>
        %dma_start3A = arith.constant 0 : i32
        %dma_start3A_94 = tpu.memref_slice %arg7[%run_scoped3A_68, %dma_start3A] : memref<32x128xi32, #tpu.memory_space<vmem>> -> memref<1x128xi32, #tpu.memory_space<vmem>>
        %dma_start3A_95 = tpu.memref_squeeze %dma_start3A_94 : memref<1x128xi32, #tpu.memory_space<vmem>> -> memref<128xi32, #tpu.memory_space<vmem>>
        %dma_start3A_96 = arith.constant 0 : i32
        %dma_start3A_97 = tpu.memref_slice %arg8[%dma_start3A_96] : memref<64xf32, #tpu.memory_space<vmem_shared>> -> memref<64xf32, #tpu.memory_space<vmem_shared>>
        tpu.enqueue_indirect_dma source(%arg10 : memref<128xf32, #tpu.memory_space<vmem>>) target(%dma_start3A_97 : memref<64xf32, #tpu.memory_space<vmem_shared>>) offsets(%dma_start3A_95 : memref<128xi32, #tpu.memory_space<vmem>>) semaphore(%run_scoped3A_93 : memref<!tpu.dma_semaphore, #tpu.memory_space<semaphore_mem>>) {add = true}
        %dma_wait3A = arith.constant 0 : i32
        %dma_wait3A_98 = tpu.memref_slice %arg7[%run_scoped3A_68, %dma_wait3A] : memref<32x128xi32, #tpu.memory_space<vmem>> -> memref<1x128xi32, #tpu.memory_space<vmem>>
        %dma_wait3A_99 = tpu.memref_squeeze %dma_wait3A_98 : memref<1x128xi32, #tpu.memory_space<vmem>> -> memref<128xi32, #tpu.memory_space<vmem>>
        %dma_wait3A_100 = arith.constant 0 : i32
        %dma_wait3A_101 = tpu.memref_slice %arg8[%dma_wait3A_100] : memref<64xf32, #tpu.memory_space<vmem_shared>> -> memref<64xf32, #tpu.memory_space<vmem_shared>>
        tpu.wait_indirect_dma semaphore(%run_scoped3A_93 : memref<!tpu.dma_semaphore, #tpu.memory_space<semaphore_mem>>) src(%arg10 : memref<128xf32, #tpu.memory_space<vmem>>) dst(%dma_wait3A_101 : memref<64xf32, #tpu.memory_space<vmem_shared>>)
        tpu.yield
      }) : () -> ()
      %run_scoped3A_69 = arith.constant 14 : i32
      "tpu.region"() ({
        %run_scoped3A_93 = tpu.sem_alloc : memref<!tpu.dma_semaphore, #tpu.memory_space<semaphore_mem>>
        %dma_start3A = arith.constant 0 : i32
        %dma_start3A_94 = tpu.memref_slice %arg7[%run_scoped3A_69, %dma_start3A] : memref<32x128xi32, #tpu.memory_space<vmem>> -> memref<1x128xi32, #tpu.memory_space<vmem>>
        %dma_start3A_95 = tpu.memref_squeeze %dma_start3A_94 : memref<1x128xi32, #tpu.memory_space<vmem>> -> memref<128xi32, #tpu.memory_space<vmem>>
        %dma_start3A_96 = arith.constant 0 : i32
        %dma_start3A_97 = tpu.memref_slice %arg8[%dma_start3A_96] : memref<64xf32, #tpu.memory_space<vmem_shared>> -> memref<64xf32, #tpu.memory_space<vmem_shared>>
        tpu.enqueue_indirect_dma source(%arg10 : memref<128xf32, #tpu.memory_space<vmem>>) target(%dma_start3A_97 : memref<64xf32, #tpu.memory_space<vmem_shared>>) offsets(%dma_start3A_95 : memref<128xi32, #tpu.memory_space<vmem>>) semaphore(%run_scoped3A_93 : memref<!tpu.dma_semaphore, #tpu.memory_space<semaphore_mem>>) {add = true}
        %dma_wait3A = arith.constant 0 : i32
        %dma_wait3A_98 = tpu.memref_slice %arg7[%run_scoped3A_69, %dma_wait3A] : memref<32x128xi32, #tpu.memory_space<vmem>> -> memref<1x128xi32, #tpu.memory_space<vmem>>
        %dma_wait3A_99 = tpu.memref_squeeze %dma_wait3A_98 : memref<1x128xi32, #tpu.memory_space<vmem>> -> memref<128xi32, #tpu.memory_space<vmem>>
        %dma_wait3A_100 = arith.constant 0 : i32
        %dma_wait3A_101 = tpu.memref_slice %arg8[%dma_wait3A_100] : memref<64xf32, #tpu.memory_space<vmem_shared>> -> memref<64xf32, #tpu.memory_space<vmem_shared>>
        tpu.wait_indirect_dma semaphore(%run_scoped3A_93 : memref<!tpu.dma_semaphore, #tpu.memory_space<semaphore_mem>>) src(%arg10 : memref<128xf32, #tpu.memory_space<vmem>>) dst(%dma_wait3A_101 : memref<64xf32, #tpu.memory_space<vmem_shared>>)
        tpu.yield
      }) : () -> ()
      %run_scoped3A_70 = arith.constant 15 : i32
      "tpu.region"() ({
        %run_scoped3A_93 = tpu.sem_alloc : memref<!tpu.dma_semaphore, #tpu.memory_space<semaphore_mem>>
        %dma_start3A = arith.constant 0 : i32
        %dma_start3A_94 = tpu.memref_slice %arg7[%run_scoped3A_70, %dma_start3A] : memref<32x128xi32, #tpu.memory_space<vmem>> -> memref<1x128xi32, #tpu.memory_space<vmem>>
        %dma_start3A_95 = tpu.memref_squeeze %dma_start3A_94 : memref<1x128xi32, #tpu.memory_space<vmem>> -> memref<128xi32, #tpu.memory_space<vmem>>
        %dma_start3A_96 = arith.constant 0 : i32
        %dma_start3A_97 = tpu.memref_slice %arg8[%dma_start3A_96] : memref<64xf32, #tpu.memory_space<vmem_shared>> -> memref<64xf32, #tpu.memory_space<vmem_shared>>
        tpu.enqueue_indirect_dma source(%arg10 : memref<128xf32, #tpu.memory_space<vmem>>) target(%dma_start3A_97 : memref<64xf32, #tpu.memory_space<vmem_shared>>) offsets(%dma_start3A_95 : memref<128xi32, #tpu.memory_space<vmem>>) semaphore(%run_scoped3A_93 : memref<!tpu.dma_semaphore, #tpu.memory_space<semaphore_mem>>) {add = true}
        %dma_wait3A = arith.constant 0 : i32
        %dma_wait3A_98 = tpu.memref_slice %arg7[%run_scoped3A_70, %dma_wait3A] : memref<32x128xi32, #tpu.memory_space<vmem>> -> memref<1x128xi32, #tpu.memory_space<vmem>>
        %dma_wait3A_99 = tpu.memref_squeeze %dma_wait3A_98 : memref<1x128xi32, #tpu.memory_space<vmem>> -> memref<128xi32, #tpu.memory_space<vmem>>
        %dma_wait3A_100 = arith.constant 0 : i32
        %dma_wait3A_101 = tpu.memref_slice %arg8[%dma_wait3A_100] : memref<64xf32, #tpu.memory_space<vmem_shared>> -> memref<64xf32, #tpu.memory_space<vmem_shared>>
        tpu.wait_indirect_dma semaphore(%run_scoped3A_93 : memref<!tpu.dma_semaphore, #tpu.memory_space<semaphore_mem>>) src(%arg10 : memref<128xf32, #tpu.memory_space<vmem>>) dst(%dma_wait3A_101 : memref<64xf32, #tpu.memory_space<vmem_shared>>)
        tpu.yield
      }) : () -> ()
      %run_scoped3A_71 = arith.constant 16 : i32
      "tpu.region"() ({
        %run_scoped3A_93 = tpu.sem_alloc : memref<!tpu.dma_semaphore, #tpu.memory_space<semaphore_mem>>
        %dma_start3A = arith.constant 0 : i32
        %dma_start3A_94 = tpu.memref_slice %arg7[%run_scoped3A_71, %dma_start3A] : memref<32x128xi32, #tpu.memory_space<vmem>> -> memref<1x128xi32, #tpu.memory_space<vmem>>
        %dma_start3A_95 = tpu.memref_squeeze %dma_start3A_94 : memref<1x128xi32, #tpu.memory_space<vmem>> -> memref<128xi32, #tpu.memory_space<vmem>>
        %dma_start3A_96 = arith.constant 0 : i32
        %dma_start3A_97 = tpu.memref_slice %arg8[%dma_start3A_96] : memref<64xf32, #tpu.memory_space<vmem_shared>> -> memref<64xf32, #tpu.memory_space<vmem_shared>>
        tpu.enqueue_indirect_dma source(%arg10 : memref<128xf32, #tpu.memory_space<vmem>>) target(%dma_start3A_97 : memref<64xf32, #tpu.memory_space<vmem_shared>>) offsets(%dma_start3A_95 : memref<128xi32, #tpu.memory_space<vmem>>) semaphore(%run_scoped3A_93 : memref<!tpu.dma_semaphore, #tpu.memory_space<semaphore_mem>>) {add = true}
        %dma_wait3A = arith.constant 0 : i32
        %dma_wait3A_98 = tpu.memref_slice %arg7[%run_scoped3A_71, %dma_wait3A] : memref<32x128xi32, #tpu.memory_space<vmem>> -> memref<1x128xi32, #tpu.memory_space<vmem>>
        %dma_wait3A_99 = tpu.memref_squeeze %dma_wait3A_98 : memref<1x128xi32, #tpu.memory_space<vmem>> -> memref<128xi32, #tpu.memory_space<vmem>>
        %dma_wait3A_100 = arith.constant 0 : i32
        %dma_wait3A_101 = tpu.memref_slice %arg8[%dma_wait3A_100] : memref<64xf32, #tpu.memory_space<vmem_shared>> -> memref<64xf32, #tpu.memory_space<vmem_shared>>
        tpu.wait_indirect_dma semaphore(%run_scoped3A_93 : memref<!tpu.dma_semaphore, #tpu.memory_space<semaphore_mem>>) src(%arg10 : memref<128xf32, #tpu.memory_space<vmem>>) dst(%dma_wait3A_101 : memref<64xf32, #tpu.memory_space<vmem_shared>>)
        tpu.yield
      }) : () -> ()
      %run_scoped3A_72 = arith.constant 17 : i32
      "tpu.region"() ({
        %run_scoped3A_93 = tpu.sem_alloc : memref<!tpu.dma_semaphore, #tpu.memory_space<semaphore_mem>>
        %dma_start3A = arith.constant 0 : i32
        %dma_start3A_94 = tpu.memref_slice %arg7[%run_scoped3A_72, %dma_start3A] : memref<32x128xi32, #tpu.memory_space<vmem>> -> memref<1x128xi32, #tpu.memory_space<vmem>>
        %dma_start3A_95 = tpu.memref_squeeze %dma_start3A_94 : memref<1x128xi32, #tpu.memory_space<vmem>> -> memref<128xi32, #tpu.memory_space<vmem>>
        %dma_start3A_96 = arith.constant 0 : i32
        %dma_start3A_97 = tpu.memref_slice %arg8[%dma_start3A_96] : memref<64xf32, #tpu.memory_space<vmem_shared>> -> memref<64xf32, #tpu.memory_space<vmem_shared>>
        tpu.enqueue_indirect_dma source(%arg10 : memref<128xf32, #tpu.memory_space<vmem>>) target(%dma_start3A_97 : memref<64xf32, #tpu.memory_space<vmem_shared>>) offsets(%dma_start3A_95 : memref<128xi32, #tpu.memory_space<vmem>>) semaphore(%run_scoped3A_93 : memref<!tpu.dma_semaphore, #tpu.memory_space<semaphore_mem>>) {add = true}
        %dma_wait3A = arith.constant 0 : i32
        %dma_wait3A_98 = tpu.memref_slice %arg7[%run_scoped3A_72, %dma_wait3A] : memref<32x128xi32, #tpu.memory_space<vmem>> -> memref<1x128xi32, #tpu.memory_space<vmem>>
        %dma_wait3A_99 = tpu.memref_squeeze %dma_wait3A_98 : memref<1x128xi32, #tpu.memory_space<vmem>> -> memref<128xi32, #tpu.memory_space<vmem>>
        %dma_wait3A_100 = arith.constant 0 : i32
        %dma_wait3A_101 = tpu.memref_slice %arg8[%dma_wait3A_100] : memref<64xf32, #tpu.memory_space<vmem_shared>> -> memref<64xf32, #tpu.memory_space<vmem_shared>>
        tpu.wait_indirect_dma semaphore(%run_scoped3A_93 : memref<!tpu.dma_semaphore, #tpu.memory_space<semaphore_mem>>) src(%arg10 : memref<128xf32, #tpu.memory_space<vmem>>) dst(%dma_wait3A_101 : memref<64xf32, #tpu.memory_space<vmem_shared>>)
        tpu.yield
      }) : () -> ()
      %run_scoped3A_73 = arith.constant 18 : i32
      "tpu.region"() ({
        %run_scoped3A_93 = tpu.sem_alloc : memref<!tpu.dma_semaphore, #tpu.memory_space<semaphore_mem>>
        %dma_start3A = arith.constant 0 : i32
        %dma_start3A_94 = tpu.memref_slice %arg7[%run_scoped3A_73, %dma_start3A] : memref<32x128xi32, #tpu.memory_space<vmem>> -> memref<1x128xi32, #tpu.memory_space<vmem>>
        %dma_start3A_95 = tpu.memref_squeeze %dma_start3A_94 : memref<1x128xi32, #tpu.memory_space<vmem>> -> memref<128xi32, #tpu.memory_space<vmem>>
        %dma_start3A_96 = arith.constant 0 : i32
        %dma_start3A_97 = tpu.memref_slice %arg8[%dma_start3A_96] : memref<64xf32, #tpu.memory_space<vmem_shared>> -> memref<64xf32, #tpu.memory_space<vmem_shared>>
        tpu.enqueue_indirect_dma source(%arg10 : memref<128xf32, #tpu.memory_space<vmem>>) target(%dma_start3A_97 : memref<64xf32, #tpu.memory_space<vmem_shared>>) offsets(%dma_start3A_95 : memref<128xi32, #tpu.memory_space<vmem>>) semaphore(%run_scoped3A_93 : memref<!tpu.dma_semaphore, #tpu.memory_space<semaphore_mem>>) {add = true}
        %dma_wait3A = arith.constant 0 : i32
        %dma_wait3A_98 = tpu.memref_slice %arg7[%run_scoped3A_73, %dma_wait3A] : memref<32x128xi32, #tpu.memory_space<vmem>> -> memref<1x128xi32, #tpu.memory_space<vmem>>
        %dma_wait3A_99 = tpu.memref_squeeze %dma_wait3A_98 : memref<1x128xi32, #tpu.memory_space<vmem>> -> memref<128xi32, #tpu.memory_space<vmem>>
        %dma_wait3A_100 = arith.constant 0 : i32
        %dma_wait3A_101 = tpu.memref_slice %arg8[%dma_wait3A_100] : memref<64xf32, #tpu.memory_space<vmem_shared>> -> memref<64xf32, #tpu.memory_space<vmem_shared>>
        tpu.wait_indirect_dma semaphore(%run_scoped3A_93 : memref<!tpu.dma_semaphore, #tpu.memory_space<semaphore_mem>>) src(%arg10 : memref<128xf32, #tpu.memory_space<vmem>>) dst(%dma_wait3A_101 : memref<64xf32, #tpu.memory_space<vmem_shared>>)
        tpu.yield
      }) : () -> ()
      %run_scoped3A_74 = arith.constant 19 : i32
      "tpu.region"() ({
        %run_scoped3A_93 = tpu.sem_alloc : memref<!tpu.dma_semaphore, #tpu.memory_space<semaphore_mem>>
        %dma_start3A = arith.constant 0 : i32
        %dma_start3A_94 = tpu.memref_slice %arg7[%run_scoped3A_74, %dma_start3A] : memref<32x128xi32, #tpu.memory_space<vmem>> -> memref<1x128xi32, #tpu.memory_space<vmem>>
        %dma_start3A_95 = tpu.memref_squeeze %dma_start3A_94 : memref<1x128xi32, #tpu.memory_space<vmem>> -> memref<128xi32, #tpu.memory_space<vmem>>
        %dma_start3A_96 = arith.constant 0 : i32
        %dma_start3A_97 = tpu.memref_slice %arg8[%dma_start3A_96] : memref<64xf32, #tpu.memory_space<vmem_shared>> -> memref<64xf32, #tpu.memory_space<vmem_shared>>
        tpu.enqueue_indirect_dma source(%arg10 : memref<128xf32, #tpu.memory_space<vmem>>) target(%dma_start3A_97 : memref<64xf32, #tpu.memory_space<vmem_shared>>) offsets(%dma_start3A_95 : memref<128xi32, #tpu.memory_space<vmem>>) semaphore(%run_scoped3A_93 : memref<!tpu.dma_semaphore, #tpu.memory_space<semaphore_mem>>) {add = true}
        %dma_wait3A = arith.constant 0 : i32
        %dma_wait3A_98 = tpu.memref_slice %arg7[%run_scoped3A_74, %dma_wait3A] : memref<32x128xi32, #tpu.memory_space<vmem>> -> memref<1x128xi32, #tpu.memory_space<vmem>>
        %dma_wait3A_99 = tpu.memref_squeeze %dma_wait3A_98 : memref<1x128xi32, #tpu.memory_space<vmem>> -> memref<128xi32, #tpu.memory_space<vmem>>
        %dma_wait3A_100 = arith.constant 0 : i32
        %dma_wait3A_101 = tpu.memref_slice %arg8[%dma_wait3A_100] : memref<64xf32, #tpu.memory_space<vmem_shared>> -> memref<64xf32, #tpu.memory_space<vmem_shared>>
        tpu.wait_indirect_dma semaphore(%run_scoped3A_93 : memref<!tpu.dma_semaphore, #tpu.memory_space<semaphore_mem>>) src(%arg10 : memref<128xf32, #tpu.memory_space<vmem>>) dst(%dma_wait3A_101 : memref<64xf32, #tpu.memory_space<vmem_shared>>)
        tpu.yield
      }) : () -> ()
      %run_scoped3A_75 = arith.constant 20 : i32
      "tpu.region"() ({
        %run_scoped3A_93 = tpu.sem_alloc : memref<!tpu.dma_semaphore, #tpu.memory_space<semaphore_mem>>
        %dma_start3A = arith.constant 0 : i32
        %dma_start3A_94 = tpu.memref_slice %arg7[%run_scoped3A_75, %dma_start3A] : memref<32x128xi32, #tpu.memory_space<vmem>> -> memref<1x128xi32, #tpu.memory_space<vmem>>
        %dma_start3A_95 = tpu.memref_squeeze %dma_start3A_94 : memref<1x128xi32, #tpu.memory_space<vmem>> -> memref<128xi32, #tpu.memory_space<vmem>>
        %dma_start3A_96 = arith.constant 0 : i32
        %dma_start3A_97 = tpu.memref_slice %arg8[%dma_start3A_96] : memref<64xf32, #tpu.memory_space<vmem_shared>> -> memref<64xf32, #tpu.memory_space<vmem_shared>>
        tpu.enqueue_indirect_dma source(%arg10 : memref<128xf32, #tpu.memory_space<vmem>>) target(%dma_start3A_97 : memref<64xf32, #tpu.memory_space<vmem_shared>>) offsets(%dma_start3A_95 : memref<128xi32, #tpu.memory_space<vmem>>) semaphore(%run_scoped3A_93 : memref<!tpu.dma_semaphore, #tpu.memory_space<semaphore_mem>>) {add = true}
        %dma_wait3A = arith.constant 0 : i32
        %dma_wait3A_98 = tpu.memref_slice %arg7[%run_scoped3A_75, %dma_wait3A] : memref<32x128xi32, #tpu.memory_space<vmem>> -> memref<1x128xi32, #tpu.memory_space<vmem>>
        %dma_wait3A_99 = tpu.memref_squeeze %dma_wait3A_98 : memref<1x128xi32, #tpu.memory_space<vmem>> -> memref<128xi32, #tpu.memory_space<vmem>>
        %dma_wait3A_100 = arith.constant 0 : i32
        %dma_wait3A_101 = tpu.memref_slice %arg8[%dma_wait3A_100] : memref<64xf32, #tpu.memory_space<vmem_shared>> -> memref<64xf32, #tpu.memory_space<vmem_shared>>
        tpu.wait_indirect_dma semaphore(%run_scoped3A_93 : memref<!tpu.dma_semaphore, #tpu.memory_space<semaphore_mem>>) src(%arg10 : memref<128xf32, #tpu.memory_space<vmem>>) dst(%dma_wait3A_101 : memref<64xf32, #tpu.memory_space<vmem_shared>>)
        tpu.yield
      }) : () -> ()
      %run_scoped3A_76 = arith.constant 21 : i32
      "tpu.region"() ({
        %run_scoped3A_93 = tpu.sem_alloc : memref<!tpu.dma_semaphore, #tpu.memory_space<semaphore_mem>>
        %dma_start3A = arith.constant 0 : i32
        %dma_start3A_94 = tpu.memref_slice %arg7[%run_scoped3A_76, %dma_start3A] : memref<32x128xi32, #tpu.memory_space<vmem>> -> memref<1x128xi32, #tpu.memory_space<vmem>>
        %dma_start3A_95 = tpu.memref_squeeze %dma_start3A_94 : memref<1x128xi32, #tpu.memory_space<vmem>> -> memref<128xi32, #tpu.memory_space<vmem>>
        %dma_start3A_96 = arith.constant 0 : i32
        %dma_start3A_97 = tpu.memref_slice %arg8[%dma_start3A_96] : memref<64xf32, #tpu.memory_space<vmem_shared>> -> memref<64xf32, #tpu.memory_space<vmem_shared>>
        tpu.enqueue_indirect_dma source(%arg10 : memref<128xf32, #tpu.memory_space<vmem>>) target(%dma_start3A_97 : memref<64xf32, #tpu.memory_space<vmem_shared>>) offsets(%dma_start3A_95 : memref<128xi32, #tpu.memory_space<vmem>>) semaphore(%run_scoped3A_93 : memref<!tpu.dma_semaphore, #tpu.memory_space<semaphore_mem>>) {add = true}
        %dma_wait3A = arith.constant 0 : i32
        %dma_wait3A_98 = tpu.memref_slice %arg7[%run_scoped3A_76, %dma_wait3A] : memref<32x128xi32, #tpu.memory_space<vmem>> -> memref<1x128xi32, #tpu.memory_space<vmem>>
        %dma_wait3A_99 = tpu.memref_squeeze %dma_wait3A_98 : memref<1x128xi32, #tpu.memory_space<vmem>> -> memref<128xi32, #tpu.memory_space<vmem>>
        %dma_wait3A_100 = arith.constant 0 : i32
        %dma_wait3A_101 = tpu.memref_slice %arg8[%dma_wait3A_100] : memref<64xf32, #tpu.memory_space<vmem_shared>> -> memref<64xf32, #tpu.memory_space<vmem_shared>>
        tpu.wait_indirect_dma semaphore(%run_scoped3A_93 : memref<!tpu.dma_semaphore, #tpu.memory_space<semaphore_mem>>) src(%arg10 : memref<128xf32, #tpu.memory_space<vmem>>) dst(%dma_wait3A_101 : memref<64xf32, #tpu.memory_space<vmem_shared>>)
        tpu.yield
      }) : () -> ()
      %run_scoped3A_77 = arith.constant 22 : i32
      "tpu.region"() ({
        %run_scoped3A_93 = tpu.sem_alloc : memref<!tpu.dma_semaphore, #tpu.memory_space<semaphore_mem>>
        %dma_start3A = arith.constant 0 : i32
        %dma_start3A_94 = tpu.memref_slice %arg7[%run_scoped3A_77, %dma_start3A] : memref<32x128xi32, #tpu.memory_space<vmem>> -> memref<1x128xi32, #tpu.memory_space<vmem>>
        %dma_start3A_95 = tpu.memref_squeeze %dma_start3A_94 : memref<1x128xi32, #tpu.memory_space<vmem>> -> memref<128xi32, #tpu.memory_space<vmem>>
        %dma_start3A_96 = arith.constant 0 : i32
        %dma_start3A_97 = tpu.memref_slice %arg8[%dma_start3A_96] : memref<64xf32, #tpu.memory_space<vmem_shared>> -> memref<64xf32, #tpu.memory_space<vmem_shared>>
        tpu.enqueue_indirect_dma source(%arg10 : memref<128xf32, #tpu.memory_space<vmem>>) target(%dma_start3A_97 : memref<64xf32, #tpu.memory_space<vmem_shared>>) offsets(%dma_start3A_95 : memref<128xi32, #tpu.memory_space<vmem>>) semaphore(%run_scoped3A_93 : memref<!tpu.dma_semaphore, #tpu.memory_space<semaphore_mem>>) {add = true}
        %dma_wait3A = arith.constant 0 : i32
        %dma_wait3A_98 = tpu.memref_slice %arg7[%run_scoped3A_77, %dma_wait3A] : memref<32x128xi32, #tpu.memory_space<vmem>> -> memref<1x128xi32, #tpu.memory_space<vmem>>
        %dma_wait3A_99 = tpu.memref_squeeze %dma_wait3A_98 : memref<1x128xi32, #tpu.memory_space<vmem>> -> memref<128xi32, #tpu.memory_space<vmem>>
        %dma_wait3A_100 = arith.constant 0 : i32
        %dma_wait3A_101 = tpu.memref_slice %arg8[%dma_wait3A_100] : memref<64xf32, #tpu.memory_space<vmem_shared>> -> memref<64xf32, #tpu.memory_space<vmem_shared>>
        tpu.wait_indirect_dma semaphore(%run_scoped3A_93 : memref<!tpu.dma_semaphore, #tpu.memory_space<semaphore_mem>>) src(%arg10 : memref<128xf32, #tpu.memory_space<vmem>>) dst(%dma_wait3A_101 : memref<64xf32, #tpu.memory_space<vmem_shared>>)
        tpu.yield
      }) : () -> ()
      %run_scoped3A_78 = arith.constant 23 : i32
      "tpu.region"() ({
        %run_scoped3A_93 = tpu.sem_alloc : memref<!tpu.dma_semaphore, #tpu.memory_space<semaphore_mem>>
        %dma_start3A = arith.constant 0 : i32
        %dma_start3A_94 = tpu.memref_slice %arg7[%run_scoped3A_78, %dma_start3A] : memref<32x128xi32, #tpu.memory_space<vmem>> -> memref<1x128xi32, #tpu.memory_space<vmem>>
        %dma_start3A_95 = tpu.memref_squeeze %dma_start3A_94 : memref<1x128xi32, #tpu.memory_space<vmem>> -> memref<128xi32, #tpu.memory_space<vmem>>
        %dma_start3A_96 = arith.constant 0 : i32
        %dma_start3A_97 = tpu.memref_slice %arg8[%dma_start3A_96] : memref<64xf32, #tpu.memory_space<vmem_shared>> -> memref<64xf32, #tpu.memory_space<vmem_shared>>
        tpu.enqueue_indirect_dma source(%arg10 : memref<128xf32, #tpu.memory_space<vmem>>) target(%dma_start3A_97 : memref<64xf32, #tpu.memory_space<vmem_shared>>) offsets(%dma_start3A_95 : memref<128xi32, #tpu.memory_space<vmem>>) semaphore(%run_scoped3A_93 : memref<!tpu.dma_semaphore, #tpu.memory_space<semaphore_mem>>) {add = true}
        %dma_wait3A = arith.constant 0 : i32
        %dma_wait3A_98 = tpu.memref_slice %arg7[%run_scoped3A_78, %dma_wait3A] : memref<32x128xi32, #tpu.memory_space<vmem>> -> memref<1x128xi32, #tpu.memory_space<vmem>>
        %dma_wait3A_99 = tpu.memref_squeeze %dma_wait3A_98 : memref<1x128xi32, #tpu.memory_space<vmem>> -> memref<128xi32, #tpu.memory_space<vmem>>
        %dma_wait3A_100 = arith.constant 0 : i32
        %dma_wait3A_101 = tpu.memref_slice %arg8[%dma_wait3A_100] : memref<64xf32, #tpu.memory_space<vmem_shared>> -> memref<64xf32, #tpu.memory_space<vmem_shared>>
        tpu.wait_indirect_dma semaphore(%run_scoped3A_93 : memref<!tpu.dma_semaphore, #tpu.memory_space<semaphore_mem>>) src(%arg10 : memref<128xf32, #tpu.memory_space<vmem>>) dst(%dma_wait3A_101 : memref<64xf32, #tpu.memory_space<vmem_shared>>)
        tpu.yield
      }) : () -> ()
      %run_scoped3A_79 = arith.constant 24 : i32
      "tpu.region"() ({
        %run_scoped3A_93 = tpu.sem_alloc : memref<!tpu.dma_semaphore, #tpu.memory_space<semaphore_mem>>
        %dma_start3A = arith.constant 0 : i32
        %dma_start3A_94 = tpu.memref_slice %arg7[%run_scoped3A_79, %dma_start3A] : memref<32x128xi32, #tpu.memory_space<vmem>> -> memref<1x128xi32, #tpu.memory_space<vmem>>
        %dma_start3A_95 = tpu.memref_squeeze %dma_start3A_94 : memref<1x128xi32, #tpu.memory_space<vmem>> -> memref<128xi32, #tpu.memory_space<vmem>>
        %dma_start3A_96 = arith.constant 0 : i32
        %dma_start3A_97 = tpu.memref_slice %arg8[%dma_start3A_96] : memref<64xf32, #tpu.memory_space<vmem_shared>> -> memref<64xf32, #tpu.memory_space<vmem_shared>>
        tpu.enqueue_indirect_dma source(%arg10 : memref<128xf32, #tpu.memory_space<vmem>>) target(%dma_start3A_97 : memref<64xf32, #tpu.memory_space<vmem_shared>>) offsets(%dma_start3A_95 : memref<128xi32, #tpu.memory_space<vmem>>) semaphore(%run_scoped3A_93 : memref<!tpu.dma_semaphore, #tpu.memory_space<semaphore_mem>>) {add = true}
        %dma_wait3A = arith.constant 0 : i32
        %dma_wait3A_98 = tpu.memref_slice %arg7[%run_scoped3A_79, %dma_wait3A] : memref<32x128xi32, #tpu.memory_space<vmem>> -> memref<1x128xi32, #tpu.memory_space<vmem>>
        %dma_wait3A_99 = tpu.memref_squeeze %dma_wait3A_98 : memref<1x128xi32, #tpu.memory_space<vmem>> -> memref<128xi32, #tpu.memory_space<vmem>>
        %dma_wait3A_100 = arith.constant 0 : i32
        %dma_wait3A_101 = tpu.memref_slice %arg8[%dma_wait3A_100] : memref<64xf32, #tpu.memory_space<vmem_shared>> -> memref<64xf32, #tpu.memory_space<vmem_shared>>
        tpu.wait_indirect_dma semaphore(%run_scoped3A_93 : memref<!tpu.dma_semaphore, #tpu.memory_space<semaphore_mem>>) src(%arg10 : memref<128xf32, #tpu.memory_space<vmem>>) dst(%dma_wait3A_101 : memref<64xf32, #tpu.memory_space<vmem_shared>>)
        tpu.yield
      }) : () -> ()
      %run_scoped3A_80 = arith.constant 25 : i32
      "tpu.region"() ({
        %run_scoped3A_93 = tpu.sem_alloc : memref<!tpu.dma_semaphore, #tpu.memory_space<semaphore_mem>>
        %dma_start3A = arith.constant 0 : i32
        %dma_start3A_94 = tpu.memref_slice %arg7[%run_scoped3A_80, %dma_start3A] : memref<32x128xi32, #tpu.memory_space<vmem>> -> memref<1x128xi32, #tpu.memory_space<vmem>>
        %dma_start3A_95 = tpu.memref_squeeze %dma_start3A_94 : memref<1x128xi32, #tpu.memory_space<vmem>> -> memref<128xi32, #tpu.memory_space<vmem>>
        %dma_start3A_96 = arith.constant 0 : i32
        %dma_start3A_97 = tpu.memref_slice %arg8[%dma_start3A_96] : memref<64xf32, #tpu.memory_space<vmem_shared>> -> memref<64xf32, #tpu.memory_space<vmem_shared>>
        tpu.enqueue_indirect_dma source(%arg10 : memref<128xf32, #tpu.memory_space<vmem>>) target(%dma_start3A_97 : memref<64xf32, #tpu.memory_space<vmem_shared>>) offsets(%dma_start3A_95 : memref<128xi32, #tpu.memory_space<vmem>>) semaphore(%run_scoped3A_93 : memref<!tpu.dma_semaphore, #tpu.memory_space<semaphore_mem>>) {add = true}
        %dma_wait3A = arith.constant 0 : i32
        %dma_wait3A_98 = tpu.memref_slice %arg7[%run_scoped3A_80, %dma_wait3A] : memref<32x128xi32, #tpu.memory_space<vmem>> -> memref<1x128xi32, #tpu.memory_space<vmem>>
        %dma_wait3A_99 = tpu.memref_squeeze %dma_wait3A_98 : memref<1x128xi32, #tpu.memory_space<vmem>> -> memref<128xi32, #tpu.memory_space<vmem>>
        %dma_wait3A_100 = arith.constant 0 : i32
        %dma_wait3A_101 = tpu.memref_slice %arg8[%dma_wait3A_100] : memref<64xf32, #tpu.memory_space<vmem_shared>> -> memref<64xf32, #tpu.memory_space<vmem_shared>>
        tpu.wait_indirect_dma semaphore(%run_scoped3A_93 : memref<!tpu.dma_semaphore, #tpu.memory_space<semaphore_mem>>) src(%arg10 : memref<128xf32, #tpu.memory_space<vmem>>) dst(%dma_wait3A_101 : memref<64xf32, #tpu.memory_space<vmem_shared>>)
        tpu.yield
      }) : () -> ()
      %run_scoped3A_81 = arith.constant 26 : i32
      "tpu.region"() ({
        %run_scoped3A_93 = tpu.sem_alloc : memref<!tpu.dma_semaphore, #tpu.memory_space<semaphore_mem>>
        %dma_start3A = arith.constant 0 : i32
        %dma_start3A_94 = tpu.memref_slice %arg7[%run_scoped3A_81, %dma_start3A] : memref<32x128xi32, #tpu.memory_space<vmem>> -> memref<1x128xi32, #tpu.memory_space<vmem>>
        %dma_start3A_95 = tpu.memref_squeeze %dma_start3A_94 : memref<1x128xi32, #tpu.memory_space<vmem>> -> memref<128xi32, #tpu.memory_space<vmem>>
        %dma_start3A_96 = arith.constant 0 : i32
        %dma_start3A_97 = tpu.memref_slice %arg8[%dma_start3A_96] : memref<64xf32, #tpu.memory_space<vmem_shared>> -> memref<64xf32, #tpu.memory_space<vmem_shared>>
        tpu.enqueue_indirect_dma source(%arg10 : memref<128xf32, #tpu.memory_space<vmem>>) target(%dma_start3A_97 : memref<64xf32, #tpu.memory_space<vmem_shared>>) offsets(%dma_start3A_95 : memref<128xi32, #tpu.memory_space<vmem>>) semaphore(%run_scoped3A_93 : memref<!tpu.dma_semaphore, #tpu.memory_space<semaphore_mem>>) {add = true}
        %dma_wait3A = arith.constant 0 : i32
        %dma_wait3A_98 = tpu.memref_slice %arg7[%run_scoped3A_81, %dma_wait3A] : memref<32x128xi32, #tpu.memory_space<vmem>> -> memref<1x128xi32, #tpu.memory_space<vmem>>
        %dma_wait3A_99 = tpu.memref_squeeze %dma_wait3A_98 : memref<1x128xi32, #tpu.memory_space<vmem>> -> memref<128xi32, #tpu.memory_space<vmem>>
        %dma_wait3A_100 = arith.constant 0 : i32
        %dma_wait3A_101 = tpu.memref_slice %arg8[%dma_wait3A_100] : memref<64xf32, #tpu.memory_space<vmem_shared>> -> memref<64xf32, #tpu.memory_space<vmem_shared>>
        tpu.wait_indirect_dma semaphore(%run_scoped3A_93 : memref<!tpu.dma_semaphore, #tpu.memory_space<semaphore_mem>>) src(%arg10 : memref<128xf32, #tpu.memory_space<vmem>>) dst(%dma_wait3A_101 : memref<64xf32, #tpu.memory_space<vmem_shared>>)
        tpu.yield
      }) : () -> ()
      %run_scoped3A_82 = arith.constant 27 : i32
      "tpu.region"() ({
        %run_scoped3A_93 = tpu.sem_alloc : memref<!tpu.dma_semaphore, #tpu.memory_space<semaphore_mem>>
        %dma_start3A = arith.constant 0 : i32
        %dma_start3A_94 = tpu.memref_slice %arg7[%run_scoped3A_82, %dma_start3A] : memref<32x128xi32, #tpu.memory_space<vmem>> -> memref<1x128xi32, #tpu.memory_space<vmem>>
        %dma_start3A_95 = tpu.memref_squeeze %dma_start3A_94 : memref<1x128xi32, #tpu.memory_space<vmem>> -> memref<128xi32, #tpu.memory_space<vmem>>
        %dma_start3A_96 = arith.constant 0 : i32
        %dma_start3A_97 = tpu.memref_slice %arg8[%dma_start3A_96] : memref<64xf32, #tpu.memory_space<vmem_shared>> -> memref<64xf32, #tpu.memory_space<vmem_shared>>
        tpu.enqueue_indirect_dma source(%arg10 : memref<128xf32, #tpu.memory_space<vmem>>) target(%dma_start3A_97 : memref<64xf32, #tpu.memory_space<vmem_shared>>) offsets(%dma_start3A_95 : memref<128xi32, #tpu.memory_space<vmem>>) semaphore(%run_scoped3A_93 : memref<!tpu.dma_semaphore, #tpu.memory_space<semaphore_mem>>) {add = true}
        %dma_wait3A = arith.constant 0 : i32
        %dma_wait3A_98 = tpu.memref_slice %arg7[%run_scoped3A_82, %dma_wait3A] : memref<32x128xi32, #tpu.memory_space<vmem>> -> memref<1x128xi32, #tpu.memory_space<vmem>>
        %dma_wait3A_99 = tpu.memref_squeeze %dma_wait3A_98 : memref<1x128xi32, #tpu.memory_space<vmem>> -> memref<128xi32, #tpu.memory_space<vmem>>
        %dma_wait3A_100 = arith.constant 0 : i32
        %dma_wait3A_101 = tpu.memref_slice %arg8[%dma_wait3A_100] : memref<64xf32, #tpu.memory_space<vmem_shared>> -> memref<64xf32, #tpu.memory_space<vmem_shared>>
        tpu.wait_indirect_dma semaphore(%run_scoped3A_93 : memref<!tpu.dma_semaphore, #tpu.memory_space<semaphore_mem>>) src(%arg10 : memref<128xf32, #tpu.memory_space<vmem>>) dst(%dma_wait3A_101 : memref<64xf32, #tpu.memory_space<vmem_shared>>)
        tpu.yield
      }) : () -> ()
      %run_scoped3A_83 = arith.constant 28 : i32
      "tpu.region"() ({
        %run_scoped3A_93 = tpu.sem_alloc : memref<!tpu.dma_semaphore, #tpu.memory_space<semaphore_mem>>
        %dma_start3A = arith.constant 0 : i32
        %dma_start3A_94 = tpu.memref_slice %arg7[%run_scoped3A_83, %dma_start3A] : memref<32x128xi32, #tpu.memory_space<vmem>> -> memref<1x128xi32, #tpu.memory_space<vmem>>
        %dma_start3A_95 = tpu.memref_squeeze %dma_start3A_94 : memref<1x128xi32, #tpu.memory_space<vmem>> -> memref<128xi32, #tpu.memory_space<vmem>>
        %dma_start3A_96 = arith.constant 0 : i32
        %dma_start3A_97 = tpu.memref_slice %arg8[%dma_start3A_96] : memref<64xf32, #tpu.memory_space<vmem_shared>> -> memref<64xf32, #tpu.memory_space<vmem_shared>>
        tpu.enqueue_indirect_dma source(%arg10 : memref<128xf32, #tpu.memory_space<vmem>>) target(%dma_start3A_97 : memref<64xf32, #tpu.memory_space<vmem_shared>>) offsets(%dma_start3A_95 : memref<128xi32, #tpu.memory_space<vmem>>) semaphore(%run_scoped3A_93 : memref<!tpu.dma_semaphore, #tpu.memory_space<semaphore_mem>>) {add = true}
        %dma_wait3A = arith.constant 0 : i32
        %dma_wait3A_98 = tpu.memref_slice %arg7[%run_scoped3A_83, %dma_wait3A] : memref<32x128xi32, #tpu.memory_space<vmem>> -> memref<1x128xi32, #tpu.memory_space<vmem>>
        %dma_wait3A_99 = tpu.memref_squeeze %dma_wait3A_98 : memref<1x128xi32, #tpu.memory_space<vmem>> -> memref<128xi32, #tpu.memory_space<vmem>>
        %dma_wait3A_100 = arith.constant 0 : i32
        %dma_wait3A_101 = tpu.memref_slice %arg8[%dma_wait3A_100] : memref<64xf32, #tpu.memory_space<vmem_shared>> -> memref<64xf32, #tpu.memory_space<vmem_shared>>
        tpu.wait_indirect_dma semaphore(%run_scoped3A_93 : memref<!tpu.dma_semaphore, #tpu.memory_space<semaphore_mem>>) src(%arg10 : memref<128xf32, #tpu.memory_space<vmem>>) dst(%dma_wait3A_101 : memref<64xf32, #tpu.memory_space<vmem_shared>>)
        tpu.yield
      }) : () -> ()
      %run_scoped3A_84 = arith.constant 29 : i32
      "tpu.region"() ({
        %run_scoped3A_93 = tpu.sem_alloc : memref<!tpu.dma_semaphore, #tpu.memory_space<semaphore_mem>>
        %dma_start3A = arith.constant 0 : i32
        %dma_start3A_94 = tpu.memref_slice %arg7[%run_scoped3A_84, %dma_start3A] : memref<32x128xi32, #tpu.memory_space<vmem>> -> memref<1x128xi32, #tpu.memory_space<vmem>>
        %dma_start3A_95 = tpu.memref_squeeze %dma_start3A_94 : memref<1x128xi32, #tpu.memory_space<vmem>> -> memref<128xi32, #tpu.memory_space<vmem>>
        %dma_start3A_96 = arith.constant 0 : i32
        %dma_start3A_97 = tpu.memref_slice %arg8[%dma_start3A_96] : memref<64xf32, #tpu.memory_space<vmem_shared>> -> memref<64xf32, #tpu.memory_space<vmem_shared>>
        tpu.enqueue_indirect_dma source(%arg10 : memref<128xf32, #tpu.memory_space<vmem>>) target(%dma_start3A_97 : memref<64xf32, #tpu.memory_space<vmem_shared>>) offsets(%dma_start3A_95 : memref<128xi32, #tpu.memory_space<vmem>>) semaphore(%run_scoped3A_93 : memref<!tpu.dma_semaphore, #tpu.memory_space<semaphore_mem>>) {add = true}
        %dma_wait3A = arith.constant 0 : i32
        %dma_wait3A_98 = tpu.memref_slice %arg7[%run_scoped3A_84, %dma_wait3A] : memref<32x128xi32, #tpu.memory_space<vmem>> -> memref<1x128xi32, #tpu.memory_space<vmem>>
        %dma_wait3A_99 = tpu.memref_squeeze %dma_wait3A_98 : memref<1x128xi32, #tpu.memory_space<vmem>> -> memref<128xi32, #tpu.memory_space<vmem>>
        %dma_wait3A_100 = arith.constant 0 : i32
        %dma_wait3A_101 = tpu.memref_slice %arg8[%dma_wait3A_100] : memref<64xf32, #tpu.memory_space<vmem_shared>> -> memref<64xf32, #tpu.memory_space<vmem_shared>>
        tpu.wait_indirect_dma semaphore(%run_scoped3A_93 : memref<!tpu.dma_semaphore, #tpu.memory_space<semaphore_mem>>) src(%arg10 : memref<128xf32, #tpu.memory_space<vmem>>) dst(%dma_wait3A_101 : memref<64xf32, #tpu.memory_space<vmem_shared>>)
        tpu.yield
      }) : () -> ()
      %run_scoped3A_85 = arith.constant 30 : i32
      "tpu.region"() ({
        %run_scoped3A_93 = tpu.sem_alloc : memref<!tpu.dma_semaphore, #tpu.memory_space<semaphore_mem>>
        %dma_start3A = arith.constant 0 : i32
        %dma_start3A_94 = tpu.memref_slice %arg7[%run_scoped3A_85, %dma_start3A] : memref<32x128xi32, #tpu.memory_space<vmem>> -> memref<1x128xi32, #tpu.memory_space<vmem>>
        %dma_start3A_95 = tpu.memref_squeeze %dma_start3A_94 : memref<1x128xi32, #tpu.memory_space<vmem>> -> memref<128xi32, #tpu.memory_space<vmem>>
        %dma_start3A_96 = arith.constant 0 : i32
        %dma_start3A_97 = tpu.memref_slice %arg8[%dma_start3A_96] : memref<64xf32, #tpu.memory_space<vmem_shared>> -> memref<64xf32, #tpu.memory_space<vmem_shared>>
        tpu.enqueue_indirect_dma source(%arg10 : memref<128xf32, #tpu.memory_space<vmem>>) target(%dma_start3A_97 : memref<64xf32, #tpu.memory_space<vmem_shared>>) offsets(%dma_start3A_95 : memref<128xi32, #tpu.memory_space<vmem>>) semaphore(%run_scoped3A_93 : memref<!tpu.dma_semaphore, #tpu.memory_space<semaphore_mem>>) {add = true}
        %dma_wait3A = arith.constant 0 : i32
        %dma_wait3A_98 = tpu.memref_slice %arg7[%run_scoped3A_85, %dma_wait3A] : memref<32x128xi32, #tpu.memory_space<vmem>> -> memref<1x128xi32, #tpu.memory_space<vmem>>
        %dma_wait3A_99 = tpu.memref_squeeze %dma_wait3A_98 : memref<1x128xi32, #tpu.memory_space<vmem>> -> memref<128xi32, #tpu.memory_space<vmem>>
        %dma_wait3A_100 = arith.constant 0 : i32
        %dma_wait3A_101 = tpu.memref_slice %arg8[%dma_wait3A_100] : memref<64xf32, #tpu.memory_space<vmem_shared>> -> memref<64xf32, #tpu.memory_space<vmem_shared>>
        tpu.wait_indirect_dma semaphore(%run_scoped3A_93 : memref<!tpu.dma_semaphore, #tpu.memory_space<semaphore_mem>>) src(%arg10 : memref<128xf32, #tpu.memory_space<vmem>>) dst(%dma_wait3A_101 : memref<64xf32, #tpu.memory_space<vmem_shared>>)
        tpu.yield
      }) : () -> ()
      %run_scoped3A_86 = arith.constant 31 : i32
      "tpu.region"() ({
        %run_scoped3A_93 = tpu.sem_alloc : memref<!tpu.dma_semaphore, #tpu.memory_space<semaphore_mem>>
        %dma_start3A = arith.constant 0 : i32
        %dma_start3A_94 = tpu.memref_slice %arg7[%run_scoped3A_86, %dma_start3A] : memref<32x128xi32, #tpu.memory_space<vmem>> -> memref<1x128xi32, #tpu.memory_space<vmem>>
        %dma_start3A_95 = tpu.memref_squeeze %dma_start3A_94 : memref<1x128xi32, #tpu.memory_space<vmem>> -> memref<128xi32, #tpu.memory_space<vmem>>
        %dma_start3A_96 = arith.constant 0 : i32
        %dma_start3A_97 = tpu.memref_slice %arg8[%dma_start3A_96] : memref<64xf32, #tpu.memory_space<vmem_shared>> -> memref<64xf32, #tpu.memory_space<vmem_shared>>
        tpu.enqueue_indirect_dma source(%arg10 : memref<128xf32, #tpu.memory_space<vmem>>) target(%dma_start3A_97 : memref<64xf32, #tpu.memory_space<vmem_shared>>) offsets(%dma_start3A_95 : memref<128xi32, #tpu.memory_space<vmem>>) semaphore(%run_scoped3A_93 : memref<!tpu.dma_semaphore, #tpu.memory_space<semaphore_mem>>) {add = true}
        %dma_wait3A = arith.constant 0 : i32
        %dma_wait3A_98 = tpu.memref_slice %arg7[%run_scoped3A_86, %dma_wait3A] : memref<32x128xi32, #tpu.memory_space<vmem>> -> memref<1x128xi32, #tpu.memory_space<vmem>>
        %dma_wait3A_99 = tpu.memref_squeeze %dma_wait3A_98 : memref<1x128xi32, #tpu.memory_space<vmem>> -> memref<128xi32, #tpu.memory_space<vmem>>
        %dma_wait3A_100 = arith.constant 0 : i32
        %dma_wait3A_101 = tpu.memref_slice %arg8[%dma_wait3A_100] : memref<64xf32, #tpu.memory_space<vmem_shared>> -> memref<64xf32, #tpu.memory_space<vmem_shared>>
        tpu.wait_indirect_dma semaphore(%run_scoped3A_93 : memref<!tpu.dma_semaphore, #tpu.memory_space<semaphore_mem>>) src(%arg10 : memref<128xf32, #tpu.memory_space<vmem>>) dst(%dma_wait3A_101 : memref<64xf32, #tpu.memory_space<vmem_shared>>)
        tpu.yield
      }) : () -> ()
      %barrier3A_87 = arith.constant 0 : index
      tpu.barrier barrier_id(%barrier3A_87)
      %eq3A_88 = arith.constant 0 : i32
      %eq3A_89 = arith.cmpi eq, %arg1, %eq3A_88 : i32
      %convert_element_type3A_90 = arith.extui %eq3A_89 : i1 to i32
      %cond3A_91 = arith.constant 0 : i32
      %cond3A_92 = arith.cmpi ne, %convert_element_type3A_90, %cond3A_91 : i32
      scf.if %cond3A_92 {
        "tpu.region"() ({
          %run_scoped3A_192 = tpu.sem_alloc : memref<!tpu.dma_semaphore, #tpu.memory_space<semaphore_mem>>
          tpu.enqueue_dma source(%arg8 : memref<64xf32, #tpu.memory_space<vmem_shared>>) target(%arg9 : memref<64xf32, #tpu.memory_space<vmem>>) target_semaphore(%run_scoped3A_192 : memref<!tpu.dma_semaphore, #tpu.memory_space<semaphore_mem>>)
          tpu.wait_dma2 semaphore(%run_scoped3A_192 : memref<!tpu.dma_semaphore, #tpu.memory_space<semaphore_mem>>) src(%arg8 : memref<64xf32, #tpu.memory_space<vmem_shared>>) dst(%arg9 : memref<64xf32, #tpu.memory_space<vmem>>)
          tpu.yield
        }) : () -> ()
        "tpu.region"() ({
          %run_scoped3A_192 = tpu.sem_alloc : memref<!tpu.dma_semaphore, #tpu.memory_space<semaphore_mem>>
          tpu.enqueue_dma source(%arg3 : memref<512xf32, #tpu.memory_space<hbm>>) target(%arg11 : memref<512xf32, #tpu.memory_space<vmem>>) target_semaphore(%run_scoped3A_192 : memref<!tpu.dma_semaphore, #tpu.memory_space<semaphore_mem>>)
          tpu.wait_dma2 semaphore(%run_scoped3A_192 : memref<!tpu.dma_semaphore, #tpu.memory_space<semaphore_mem>>) src(%arg3 : memref<512xf32, #tpu.memory_space<hbm>>) dst(%arg11 : memref<512xf32, #tpu.memory_space<vmem>>)
          tpu.yield
        }) : () -> ()
        %broadcast_in_dim3A_93 = arith.constant 0.000000e+00 : f32
        %broadcast_in_dim3A_94 = vector.broadcast %broadcast_in_dim3A_93 : f32 to vector<16xf32>
        %get3A = arith.constant 0 : index
        %get3A_95 = tpu.vector_load %arg9[%get3A] {strides = array<i32>} : memref<64xf32, #tpu.memory_space<vmem>>, vector<16xf32>,
        %mul3A_96 = arith.constant 1.52587891E-5 : f32
        %mul3A_97 = vector.broadcast %mul3A_96 : f32 to vector<16xf32>
        %mul3A_98 = arith.mulf %get3A_95, %mul3A_97 : vector<16xf32>
        %get3A_99 = arith.constant 0 : index
        %get3A_100 = tpu.vector_load %arg11[%get3A_99] {strides = array<i32>} : memref<512xf32, #tpu.memory_space<vmem>>, vector<16xf32>,
        %mul3A_101 = arith.constant 1.22070313E-4 : f32
        %mul3A_102 = vector.broadcast %mul3A_101 : f32 to vector<16xf32>
        %mul3A_103 = arith.mulf %get3A_100, %mul3A_102 : vector<16xf32>
        %swap3A_104 = arith.constant 0 : index
        %swap3A_105 = tpu.vector_load %arg12[%swap3A_104] {strides = array<i32>} : memref<64xf32, #tpu.memory_space<vmem>>, vector<16xf32>,
        tpu.vector_store %arg12[%swap3A_104], %mul3A_98 {strides = array<i32>} : memref<64xf32, #tpu.memory_space<vmem>>, vector<16xf32>,
        %swap3A_106 = arith.constant 0 : index
        %swap3A_107 = tpu.vector_load %arg13[%swap3A_106] {strides = array<i32>} : memref<64xf32, #tpu.memory_space<vmem>>, vector<16xf32>,
        tpu.vector_store %arg13[%swap3A_106], %mul3A_103 {strides = array<i32>} : memref<64xf32, #tpu.memory_space<vmem>>, vector<16xf32>,
        %mul3A_108 = arith.mulf %mul3A_98, %mul3A_103 : vector<16xf32>
        %add3A = arith.addf %broadcast_in_dim3A_94, %mul3A_108 : vector<16xf32>
        %get3A_109 = arith.constant 16 : index
        %get3A_110 = tpu.vector_load %arg9[%get3A_109] {strides = array<i32>} : memref<64xf32, #tpu.memory_space<vmem>>, vector<16xf32>,
        %mul3A_111 = arith.constant 1.52587891E-5 : f32
        %mul3A_112 = vector.broadcast %mul3A_111 : f32 to vector<16xf32>
        %mul3A_113 = arith.mulf %get3A_110, %mul3A_112 : vector<16xf32>
        %get3A_114 = arith.constant 16 : index
        %get3A_115 = tpu.vector_load %arg11[%get3A_114] {strides = array<i32>} : memref<512xf32, #tpu.memory_space<vmem>>, vector<16xf32>,
        %mul3A_116 = arith.constant 1.22070313E-4 : f32
        %mul3A_117 = vector.broadcast %mul3A_116 : f32 to vector<16xf32>
        %mul3A_118 = arith.mulf %get3A_115, %mul3A_117 : vector<16xf32>
        %swap3A_119 = arith.constant 16 : index
        %swap3A_120 = tpu.vector_load %arg12[%swap3A_119] {strides = array<i32>} : memref<64xf32, #tpu.memory_space<vmem>>, vector<16xf32>,
        tpu.vector_store %arg12[%swap3A_119], %mul3A_113 {strides = array<i32>} : memref<64xf32, #tpu.memory_space<vmem>>, vector<16xf32>,
        %swap3A_121 = arith.constant 16 : index
        %swap3A_122 = tpu.vector_load %arg13[%swap3A_121] {strides = array<i32>} : memref<64xf32, #tpu.memory_space<vmem>>, vector<16xf32>,
        tpu.vector_store %arg13[%swap3A_121], %mul3A_118 {strides = array<i32>} : memref<64xf32, #tpu.memory_space<vmem>>, vector<16xf32>,
        %mul3A_123 = arith.mulf %mul3A_113, %mul3A_118 : vector<16xf32>
        %add3A_124 = arith.addf %add3A, %mul3A_123 : vector<16xf32>
        %get3A_125 = arith.constant 32 : index
        %get3A_126 = tpu.vector_load %arg9[%get3A_125] {strides = array<i32>} : memref<64xf32, #tpu.memory_space<vmem>>, vector<16xf32>,
        %mul3A_127 = arith.constant 1.52587891E-5 : f32
        %mul3A_128 = vector.broadcast %mul3A_127 : f32 to vector<16xf32>
        %mul3A_129 = arith.mulf %get3A_126, %mul3A_128 : vector<16xf32>
        %get3A_130 = arith.constant 32 : index
        %get3A_131 = tpu.vector_load %arg11[%get3A_130] {strides = array<i32>} : memref<512xf32, #tpu.memory_space<vmem>>, vector<16xf32>,
        %mul3A_132 = arith.constant 1.22070313E-4 : f32
        %mul3A_133 = vector.broadcast %mul3A_132 : f32 to vector<16xf32>
        %mul3A_134 = arith.mulf %get3A_131, %mul3A_133 : vector<16xf32>
        %swap3A_135 = arith.constant 32 : index
        %swap3A_136 = tpu.vector_load %arg12[%swap3A_135] {strides = array<i32>} : memref<64xf32, #tpu.memory_space<vmem>>, vector<16xf32>,
        tpu.vector_store %arg12[%swap3A_135], %mul3A_129 {strides = array<i32>} : memref<64xf32, #tpu.memory_space<vmem>>, vector<16xf32>,
        %swap3A_137 = arith.constant 32 : index
        %swap3A_138 = tpu.vector_load %arg13[%swap3A_137] {strides = array<i32>} : memref<64xf32, #tpu.memory_space<vmem>>, vector<16xf32>,
        tpu.vector_store %arg13[%swap3A_137], %mul3A_134 {strides = array<i32>} : memref<64xf32, #tpu.memory_space<vmem>>, vector<16xf32>,
        %mul3A_139 = arith.mulf %mul3A_129, %mul3A_134 : vector<16xf32>
        %add3A_140 = arith.addf %add3A_124, %mul3A_139 : vector<16xf32>
        %get3A_141 = arith.constant 48 : index
        %get3A_142 = tpu.vector_load %arg9[%get3A_141] {strides = array<i32>} : memref<64xf32, #tpu.memory_space<vmem>>, vector<16xf32>,
        %mul3A_143 = arith.constant 1.52587891E-5 : f32
        %mul3A_144 = vector.broadcast %mul3A_143 : f32 to vector<16xf32>
        %mul3A_145 = arith.mulf %get3A_142, %mul3A_144 : vector<16xf32>
        %get3A_146 = arith.constant 48 : index
        %get3A_147 = tpu.vector_load %arg11[%get3A_146] {strides = array<i32>} : memref<512xf32, #tpu.memory_space<vmem>>, vector<16xf32>,
        %mul3A_148 = arith.constant 1.22070313E-4 : f32
        %mul3A_149 = vector.broadcast %mul3A_148 : f32 to vector<16xf32>
        %mul3A_150 = arith.mulf %get3A_147, %mul3A_149 : vector<16xf32>
        %swap3A_151 = arith.constant 48 : index
        %swap3A_152 = tpu.vector_load %arg12[%swap3A_151] {strides = array<i32>} : memref<64xf32, #tpu.memory_space<vmem>>, vector<16xf32>,
        tpu.vector_store %arg12[%swap3A_151], %mul3A_145 {strides = array<i32>} : memref<64xf32, #tpu.memory_space<vmem>>, vector<16xf32>,
        %swap3A_153 = arith.constant 48 : index
        %swap3A_154 = tpu.vector_load %arg13[%swap3A_153] {strides = array<i32>} : memref<64xf32, #tpu.memory_space<vmem>>, vector<16xf32>,
        tpu.vector_store %arg13[%swap3A_153], %mul3A_150 {strides = array<i32>} : memref<64xf32, #tpu.memory_space<vmem>>, vector<16xf32>,
        %mul3A_155 = arith.mulf %mul3A_145, %mul3A_150 : vector<16xf32>
        %add3A_156 = arith.addf %add3A_140, %mul3A_155 : vector<16xf32>
        %reduce_sum3A = arith.constant true
        %reduce_sum3A_157 = vector.broadcast %reduce_sum3A : i1 to vector<16xi1>
        %reduce_sum3A_158 = tpu.scan <sum>, %add3A_156 masked %reduce_sum3A_157 : vector<16xf32>, vector<16xi1> -> vector<16xf32>
        %reduce_sum3A_159 = vector.extract %reduce_sum3A_158[15] : f32 from vector<16xf32>
        %mul3A_160 = arith.constant 6.400000e+01 : f32
        %mul3A_161 = arith.mulf %mul3A_160, %reduce_sum3A_159 : f32
        %get3A_162 = arith.constant 192 : index
        %get3A_163 = tpu.vector_load %arg11[%get3A_162] {strides = array<i32>} : memref<512xf32, #tpu.memory_space<vmem>>, vector<16xf32>,
        %reduce_sum3A_164 = arith.constant true
        %reduce_sum3A_165 = vector.broadcast %reduce_sum3A_164 : i1 to vector<16xi1>
        %reduce_sum3A_166 = tpu.scan <sum>, %get3A_163 masked %reduce_sum3A_165 : vector<16xf32>, vector<16xi1> -> vector<16xf32>
        %reduce_sum3A_167 = vector.extract %reduce_sum3A_166[15] : f32 from vector<16xf32>
        %mul3A_168 = arith.constant 1.22070313E-4 : f32
        %mul3A_169 = arith.mulf %reduce_sum3A_167, %mul3A_168 : f32
        %mul3A_170 = arith.constant 1.000000e+00 : f32
        %mul3A_171 = arith.mulf %mul3A_170, %mul3A_161 : f32
        %mul3A_172 = arith.constant 1.000000e-03 : f32
        %mul3A_173 = arith.mulf %mul3A_172, %mul3A_169 : f32
        %add3A_174 = arith.addf %mul3A_171, %mul3A_173 : f32
        %iota3A = tpu.iota {dimensions = array<i32: 0>} : vector<16xi32>
        %eq3A_175 = arith.constant 0 : i32
        %eq3A_176 = vector.broadcast %eq3A_175 : i32 to vector<16xi32>
        %eq3A_177 = arith.cmpi eq, %iota3A, %eq3A_176 : vector<16xi32>
        %eq3A_178 = arith.constant 1 : i32
        %eq3A_179 = vector.broadcast %eq3A_178 : i32 to vector<16xi32>
        %eq3A_180 = arith.cmpi eq, %iota3A, %eq3A_179 : vector<16xi32>
        %eq3A_181 = arith.constant 2 : i32
        %eq3A_182 = vector.broadcast %eq3A_181 : i32 to vector<16xi32>
        %eq3A_183 = arith.cmpi eq, %iota3A, %eq3A_182 : vector<16xi32>
        %jit3A = arith.constant 0.000000e+00 : f32
        %broadcast_in_dim3A_184 = vector.broadcast %add3A_174 : f32 to vector<16xf32>
        %broadcast_in_dim3A_185 = vector.broadcast %jit3A : f32 to vector<16xf32>
        %select_n3A = arith.select %eq3A_183, %broadcast_in_dim3A_184, %broadcast_in_dim3A_185 : vector<16xi1>, vector<16xf32>
        %broadcast_in_dim3A_186 = vector.broadcast %mul3A_169 : f32 to vector<16xf32>
        %select_n3A_187 = arith.select %eq3A_180, %broadcast_in_dim3A_186, %select_n3A : vector<16xi1>, vector<16xf32>
        %broadcast_in_dim3A_188 = vector.broadcast %mul3A_161 : f32 to vector<16xf32>
        %select_n3A_189 = arith.select %eq3A_177, %broadcast_in_dim3A_188, %select_n3A_187 : vector<16xi1>, vector<16xf32>
        %swap3A_190 = arith.constant 0 : index
        %swap3A_191 = tpu.vector_load %arg14[%swap3A_190] {strides = array<i32>} : memref<16xf32, #tpu.memory_space<vmem>>, vector<16xf32>,
        tpu.vector_store %arg14[%swap3A_190], %select_n3A_189 {strides = array<i32>} : memref<16xf32, #tpu.memory_space<vmem>>, vector<16xf32>,
        "tpu.region"() ({
          %run_scoped3A_192 = tpu.sem_alloc : memref<!tpu.dma_semaphore, #tpu.memory_space<semaphore_mem>>
          tpu.enqueue_dma source(%arg12 : memref<64xf32, #tpu.memory_space<vmem>>) target(%arg4 : memref<64xf32, #tpu.memory_space<hbm>>) target_semaphore(%run_scoped3A_192 : memref<!tpu.dma_semaphore, #tpu.memory_space<semaphore_mem>>)
          tpu.wait_dma2 semaphore(%run_scoped3A_192 : memref<!tpu.dma_semaphore, #tpu.memory_space<semaphore_mem>>) src(%arg12 : memref<64xf32, #tpu.memory_space<vmem>>) dst(%arg4 : memref<64xf32, #tpu.memory_space<hbm>>)
          tpu.yield
        }) : () -> ()
        "tpu.region"() ({
          %run_scoped3A_192 = tpu.sem_alloc : memref<!tpu.dma_semaphore, #tpu.memory_space<semaphore_mem>>
          tpu.enqueue_dma source(%arg13 : memref<64xf32, #tpu.memory_space<vmem>>) target(%arg5 : memref<64xf32, #tpu.memory_space<hbm>>) target_semaphore(%run_scoped3A_192 : memref<!tpu.dma_semaphore, #tpu.memory_space<semaphore_mem>>)
          tpu.wait_dma2 semaphore(%run_scoped3A_192 : memref<!tpu.dma_semaphore, #tpu.memory_space<semaphore_mem>>) src(%arg13 : memref<64xf32, #tpu.memory_space<vmem>>) dst(%arg5 : memref<64xf32, #tpu.memory_space<hbm>>)
          tpu.yield
        }) : () -> ()
        "tpu.region"() ({
          %run_scoped3A_192 = tpu.sem_alloc : memref<!tpu.dma_semaphore, #tpu.memory_space<semaphore_mem>>
          tpu.enqueue_dma source(%arg14 : memref<16xf32, #tpu.memory_space<vmem>>) target(%arg6 : memref<16xf32, #tpu.memory_space<hbm>>) target_semaphore(%run_scoped3A_192 : memref<!tpu.dma_semaphore, #tpu.memory_space<semaphore_mem>>)
          tpu.wait_dma2 semaphore(%run_scoped3A_192 : memref<!tpu.dma_semaphore, #tpu.memory_space<semaphore_mem>>) src(%arg14 : memref<16xf32, #tpu.memory_space<vmem>>) dst(%arg6 : memref<16xf32, #tpu.memory_space<hbm>>)
          tpu.yield
        }) : () -> ()
      } else {
      }
    } else {
    }
    return
  }
}

</mosaic_0001>

<sc_bundles>
// kernel: _sc_hist.3.cloned.1.call-start
scs
__scs_entry_jumppad:
0x0: {  	(pc) =	sbr.rel $0x88, $3  }
0x1: {  	(tag) =	ssettag $0x0;
	lr =	simm.s32 $0x1  }
0x2: {  	[smem:$0x3F9F] =	sst lr;
	_ =	strace $0xD0000000  }
0x3: {  	_ = 	snop  }
0x4: {  	_ = 	snop  }
0x5: {  	_ = 	snop  }
0x6: {  	_ = 	snop  }
0x7: {  	_ = 	snop  }
__scs_overlays_trampoline_lowered:
0x8: {  	[smem:$0x3FAE] =	sst s0  }
0x9: {  	[smem:$0x3FAF] =	sst s1  }
0xa: {  	[smem:$0x3FB0] =	sst s2  }
0xb: {  	[smem:$0x3FB1] =	sst s3  }
0xc: {  	[smem:$0x3FB2] =	sst s4  }
0xd: {  	[smem:$0x3FB3] =	sst s5  }
0xe: {  	[smem:$0x3FB4] =	sst s6  }
0xf: {  	[smem:$0x3FB5] =	sst s7  }
0x10: {  	[smem:$0x3FB6] =	sst s8  }
0x11: {  	[smem:$0x3FB7] =	sst s9;
	s0 =	simm.s32 @!p0 $0x0  }
0x12: {  	s1 =	sld [smem:$0x3F9D];
	s0 =	simm.s32 @p0 $0x1  }
0x13: {  	[smem:$0x3FB8] =	sst s0;
	s0 =	simm.s32 @!p1 $0x0  }
0x14: {  	s2 =	sld [smem:$0x3F9C];
	s0 =	simm.s32 @p1 $0x1  }
0x15: {  	[smem:$0x3FB9] =	sst s0;
	s0 =	simm.s32 @!p2 $0x0  }
0x16: {  	s3 =	sld [smem:$0x3FDB];
	s0 =	simm.s32 @p2 $0x1  }
0x17: {  	s4 =	simm.s32 $0x1BF5;
	[smem:$0x3FBB] =	sst s0  }
0x18: {  	s0 =	sld [smem:$0x3F9E];
	_ =	swait.ge [sflag:s4], $0x0  }
0x19: {  	s7 =	sld [smem:$0x3F9F]  }
0x1a: {  	s8 =	sadd.s32 $0xFFFFE003, lr  }
0x1b: {  	s9 =	sadd.s32 $0xFFFFFEF7, lr;
	s5 =	simm.s32 $0xFFFFFFFF;
	p2 =	slt.u32 s8, $0xFFFFF086  }
0x1c: {  	p1 =	slt.u32 s9, $0xF7A;
	s5 =	simm.s32 @!p2 $0x0  }
0x1d: {  	s5 =	simm.s32 @p1 $0x1;
	p0 =	seq.s32 s7, s2  }
0x1e: {  	s7 =	smul.u32 @!p0 $0xF7A, s2;
	p2 =	seq.s32 @!p0 s5, $0x0  }
0x1f: {  	s9 =	smul.u32 $0xF7A, s1;
	s8 =	simm.s32 @!p0 $0x1BF5;
	p2 =	por !p2, p0  }
0x20: {  	[sflag:s8] =	ssyncset.s32 @!p0 $0xFFFFF086;
	s6 =	sadd.s32 @!p0 s3, s7;
	s7 =	simm.s32 @!p0 $0x108  }
0x21: {  	s3 =	sadd.s32 s3, s9;
	s6 =	sadd.s32 @!p0 $0x88, s6;
	s7 =	simm.s32 @p2 $0x1082  }
0x22: {  	[simem:s7], [sflag:s8] =	dma.local @!p0 [hbm:s6], $0xF7A  }
0x23: {  	s9 =	sor.u32 $0xD0000000, s2;
	s6 =	simm.s32 $0x108;
	_ =	swait.ge @!p0 [sflag:s8], $0x0  }
0x24: {  	s3 =	sadd.s32 $0x88, s3;
	s6 =	simm.s32 @!p1 $0x1082;
	[sflag:s4] =	ssyncset.s32 $0xFFFFF086  }
0x25: {  	[simem:s6], [sflag:s4] =	dma.local [hbm:s3], $0xF7A  }
0x26: {  	[smem:$0x3F9F] =	sst s1;
	(tag) =	ssettag s2;
	_ =	strace s9  }
0x27: {  	s1 =	sld [smem:$0x3FAF]  }
0x28: {  	s2 =	sld [smem:$0x3FB0]  }
0x29: {  	s4 =	sld [smem:$0x3FB2]  }
0x2a: {  	p0 =	seq.s32 s5, $0x0;
	s5 =	sld [smem:$0x3FB3]  }
0x2b: {  	s6 =	sld [smem:$0x3FB4]  }
0x2c: {  	s7 =	sld [smem:$0x3FB5]  }
0x2d: {  	s3 =	simm.s32 $0x108;
	s8 =	sld [smem:$0x3FB6]  }
0x2e: {  	s3 =	simm.s32 @!p0 $0x1082;
	s9 =	sld [smem:$0x3FB7]  }
0x2f: {  	lr =	sadd.s32 s0, s3;
	s0 =	sld [smem:$0x3FAE]  }
0x30: {  	s3 =	sld [smem:$0x3FB1]  }
0x31: {  	[smem:$0x3FBA] =	sst s10  }
0x32: {  	s10 =	sld [smem:$0x3FB8];
	_ =	sdelay $0x3  }
0x33: {  	p0 =	seq.s32 s10, $0x1;
	s10 =	sld [smem:$0x3FBA];
	_ =	sdelay $0x3  }
0x34: {  	[smem:$0x3FBA] =	sst s10  }
0x35: {  	s10 =	sld [smem:$0x3FB9];
	_ =	sdelay $0x3  }
0x36: {  	p1 =	seq.s32 s10, $0x1;
	s10 =	sld [smem:$0x3FBA];
	_ =	sdelay $0x3  }
0x37: {  	[smem:$0x3FBA] =	sst s10  }
0x38: {  	s10 =	sld [smem:$0x3FBB]  }
0x39: {  	_ = 	snop;
	(pc) =	sbr.ind lr, $3  }
0x3a: {  	_ = 	snop  }
0x3b: {  	_ = 	snop  }
0x3c: {  	p2 =	seq.s32 s10, $0x1;
	s10 =	sld [smem:$0x3FBA]  }
0x3d: {  	_ =	shalt  }
0x3e: {  	_ =	shalt  }
0x3f: {  	_ =	shalt  }
0x40: {  	_ =	shalt  }
0x41: {  	_ =	shalt  }
0x42: {  	_ =	shalt  }
0x43: {  	_ =	shalt  }
0x44: {  	_ =	shalt  }
0x45: {  	_ =	shalt  }
0x46: {  	_ =	shalt  }
0x47: {  	_ =	shalt  }
0x48: {  	_ =	shalt  }
0x49: {  	_ =	shalt  }
0x4a: {  	_ =	shalt  }
0x4b: {  	_ =	shalt  }
0x4c: {  	_ =	shalt  }
0x4d: {  	_ =	shalt  }
0x4e: {  	_ =	shalt  }
0x4f: {  	_ =	shalt  }
0x50: {  	_ =	shalt  }
0x51: {  	_ =	shalt  }
0x52: {  	_ =	shalt  }
0x53: {  	_ =	shalt  }
0x54: {  	_ =	shalt  }
0x55: {  	_ =	shalt  }
0x56: {  	_ =	shalt  }
0x57: {  	_ =	shalt  }
0x58: {  	_ =	shalt  }
0x59: {  	_ =	shalt  }
0x5a: {  	_ =	shalt  }
0x5b: {  	_ =	shalt  }
0x5c: {  	_ =	shalt  }
0x5d: {  	_ =	shalt  }
0x5e: {  	_ =	shalt  }
0x5f: {  	_ =	shalt  }
0x60: {  	_ =	shalt  }
0x61: {  	_ =	shalt  }
0x62: {  	_ =	shalt  }
0x63: {  	_ =	shalt  }
0x64: {  	_ =	shalt  }
0x65: {  	_ =	shalt  }
0x66: {  	_ =	shalt  }
0x67: {  	_ =	shalt  }
0x68: {  	_ =	shalt  }
0x69: {  	_ =	shalt  }
0x6a: {  	_ =	shalt  }
0x6b: {  	_ =	shalt  }
0x6c: {  	_ =	shalt  }
0x6d: {  	_ =	shalt  }
0x6e: {  	_ =	shalt  }
0x6f: {  	_ =	shalt  }
0x70: {  	_ =	shalt  }
0x71: {  	_ =	shalt  }
0x72: {  	_ =	shalt  }
0x73: {  	_ =	shalt  }
0x74: {  	_ =	shalt  }
0x75: {  	_ =	shalt  }
0x76: {  	_ =	shalt  }
0x77: {  	_ =	shalt  }
0x78: {  	_ =	shalt  }
0x79: {  	_ =	shalt  }
0x7a: {  	_ =	shalt  }
0x7b: {  	_ =	shalt  }
0x7c: {  	_ =	shalt  }
0x7d: {  	_ =	shalt  }
0x7e: {  	_ =	shalt  }
0x7f: {  	_ =	shalt  }
0x80: {  	_ =	shalt  }
0x81: {  	_ =	shalt  }
0x82: {  	_ =	shalt  }
0x83: {  	_ =	shalt  }
0x84: {  	_ =	shalt  }
0x85: {  	_ =	shalt  }
0x86: {  	_ =	shalt  }
0x87: {  	_ =	shalt  }
.Lfunc_end0:
.L_simem_size_0:
called_computation_lowered:
.L_overlay_start_0:
0x88: {  	s2 =	sld [smem:$0x3FD9]  }
0x89: {  	s3 =	sld [smem:$0x3FFE];
	_ =	sdelay $0x1  }
0x8a: {  	s1 =	srdreg.scid  }
0x8b: {  	s0 =	sand.u32 $0x1, s1  }
0x8c: {  	s15 =	sshll.u32 s0, $0xA;
	s2 =	sadd.s32 s3, s2  }
0x8d: {  	s2 =	sadd.s32 s2, s15  }
0x8e: {  	[smem:$0x3FC6] =	sst s2  }
0x8f: {  	_ = 	snop  }
0x90: {  	s2 =	sld [smem:$0x3FD0];
	_ =	sdelay $0x1  }
0x91: {  	s16 =	sld [smem:$0x3FC9]  }
0x92: {  	s5 =	simm.s32 $0xA;
	s6 =	simm.s32 $0x10;
	s4 =	sld [smem:$0x3FC8]  }
0x93: {  	[smem:s6], [sflag:s5] =	dma.local [hbm:s2], $0x1  }
0x94: {  	_ =	swait.eq [sflag:s5], $0x1  }
0x95: {  	s17 =	sld [smem:$0x10];
	[sflag:s5] =	ssyncset.done $0x0  }
0x96: {  	s18 =	sld [smem:$0x11];
	[sflag:s5] =	ssyncadd.s32 $0xFFFFFFFF  }
0x97: {  	s19 =	sld [smem:$0x12];
	(tm) =	ssettm $0x1  }
0x98: {  	s7 =	sld [smem:$0x3FFB];
	_ =	sdelay $0x3  }
0x99: {  	_ =	strace s7  }
0x9a: {  	s7 =	sld [smem:$0x3FFC];
	_ =	sdelay $0x3  }
0x9b: {  	_ =	strace s7  }
0x9c: {  	s7 =	sld [smem:$0x3FFD];
	_ =	sdelay $0x3  }
0x9d: {  	_ =	strace s7  }
0x9e: {  	_ =	strace $0x8FFFFFFF  }
0x9f: {  	s20 =	sld [smem:$0x3FDB];
	_ =	sdelay $0x1  }
0xa0: {  	s8 =	simm.s32 $_scs_section_size  }
0xa1: {  	s9 =	simm.s32 $_size__tile_overlayer_lowered;
	s10 =	simm.s32 $_tile_overlayer_lowered  }
0xa2: {  	s23 =	simm.s32 $0x1BFF;
	s22 =	sshll.u32 s10, $0x1;
	s7 =	sadd.s32 s8, s20  }
0xa3: {  	s11 =	simm.s32 $0x0;
	s21 =	sshll.u32 s9, $0x1;
	s9 =	sadd.s32 s22, s7  }
0xa4: {  	[timem:s11], [sflag:s23] =	dma.local [hbm:s9], s21  }
0xa5: {  	_ =	swait.ge [sflag:s23], s21  }
0xa6: {  	s8 =	ssub.s32 $0x0, s21;
	[sflag:s23] =	ssyncset.done $0x0  }
0xa7: {  	[sflag:s23] =	ssyncadd.s32 s8;
	_ =	sdelay $0x1  }
0xa8: {  	s24 =	simm.s32 $0x1B8B  }
0xa9: {  	_ =	swait.ge [sflag:s24], $0x1  }
0xaa: {  	[sflag:s24] =	ssyncset.done $0x0  }
0xab: {  	s25 =	simm.s32 $0x1B8E;
	[sflag:s24] =	ssyncadd.s32 $0xFFFFFFFF  }
0xac: {  	s26 =	simm.s32 $execute0_lowered;
	[smem:$0x3FD2] =	sst s25  }
0xad: {  	s8 =	sshll.u32 s26, $0x1;
	_ =	strace $0x80000046;
	[dreg:$0x1] =	wrdreg $0xFFFFFFFF  }
0xae: {  	s28 =	simm.s32 $_size_execute0_lowered;
	s7 =	sadd.s32 s7, s8;
	[dreg:$0x0] =	wrdreg $0x0  }
0xaf: {  	s8 =	sshll.u32 s28, $0x1;
	[dreg:$0x2] =	wrdreg s7  }
0xb0: {  	[dreg:$0x3] =	wrdreg s8  }
0xb1: {  	[dreg:$0x4] =	wrdreg $0xC0  }
0xb2: {  	_ =	task [dreg:s11], $0x5FFFF  }
0xb3: {  	[dreg:$0x1] =	wrdreg $0xFFFFFFFF  }
0xb4: {  	[dreg:$0x0] =	wrdreg $0x60  }
0xb5: {  	[dreg:$0x2] =	wrdreg s16  }
0xb6: {  	[dreg:$0x3] =	wrdreg s4  }
0xb7: {  	[dreg:$0x4] =	wrdreg s17  }
0xb8: {  	[dreg:$0x5] =	wrdreg s18  }
0xb9: {  	[dreg:$0x6] =	wrdreg s19  }
0xba: {  	[dreg:$0x7] =	wrdreg $0x10000  }
0xbb: {  	[dreg:$0x8] =	wrdreg $0x9  }
0xbc: {  	_ =	task.clear_ibuf [dreg:s11], $0x9FFFF;
	_ =	strace $0x90000046  }
0xbd: {  	s29 =	simm.s32 $0x9;
	_ =	strace $0x80000048  }
0xbe: {  	_ =	swait.ge [sflag:s29], $0x1  }
0xbf: {  	[sflag:s29] =	ssyncadd.s32 $0xFFFFFFFF  }
0xc0: {  	_ =	strace $0x90000048  }
0xc1: {  	_ =	sfence  }
0xc2: {  	s30 =	sld [smem:$0x0];
	_ =	sdelay $0x2  }
0xc3: {  	s31 =	sshll.u32 s1, $0xD;
	s1 =	sshrl.u32 s1, $0x2  }
0xc4: {  	s3 =	sand.u32 $0x4000, s31;
	s1 =	sadd.s32 s1, s30  }
0xc5: {  	s0 =	sor.u32 s3, s0;
	s1 =	sshll.u32 s1, $0x11  }
0xc6: {  	s0 =	sor.u32 s1, s0  }
0xc7: {  	s0 =	sadd.s32 $0x8F2B, s0  }
0xc8: {  	[sflag:s0] =	ssyncadd.remote.s32 $0x1  }
0xc9: {  	_ =	sfence.sel $0xFFFF  }
0xca: {  	[dreg:$0x0] =	wrdreg $0xFFFFFFFF;
	(pc) =	sbr.abs _section_cstart, $3  }
0xcb: {  	[dreg:$0x1] =	wrdreg $0xFFFFFFFF  }
0xcc: {  	_ =	task.clear_ibuf [dreg:s11], $0x2FFFF;
	_ =	strace $0x9FFFFFFF  }
0xcd: {  	(tm) =	ssettm $0x7FFFFFFF  }
tec
execute0_lowered:
.L_overlay_start_1:
0x0: {  	(tag) =	ssettag $0x1  }
0x1: {  	s4 =	rddreg [dreg:$0x0];
	s7 =	srdreg.scid  }
0x2: {  	s5 =	rddreg [dreg:$0x1];
	s8 =	sand.u32 $0x1, s7  }
0x3: {  	s3 =	rddreg [dreg:$0x2];
	p1 =	seq.s32 s8, $0x1  }
.Ltmp0:
0x4: {  	s2 =	rddreg [dreg:$0x3];
	(pc) =	sbr.rel @p1 .LBB2_3-.Ltmp0, $4  }
0x5: {  	s1 =	rddreg [dreg:$0x4]  }
0x6: {  	s6 =	rddreg [dreg:$0x5];
	s9 =	simm.s32 $0x0  }
0x7: {  	[smem:$0x7FF] =	sst s9;
	s7 =	stileid.u32  }
0x8: {  	s0 =	rddreg [dreg:$0x6];
	_ =	strace $0x80000047;
	p0 =	sne.s32 s7, $0x0  }
0x9: {  	s7 =	sshll.u32 s7, $0x9  }
0xa: {  	s4 =	sadd.s32 s4, s7  }
0xb: {  	[tilespmem:s9], [sflag:$0x1] =	stream.linear.gather [hbm4b:s4+s9], $0x1000, $0x38;
	[tilespmem:$0x1488] =	vst v63  }
0xc: {  	s4 =	simm.s32 $0x1  }
0xd: {  	_ =	swait.ge [sflag:s4], $0x1000  }
0xe: {  	[sflag:s4] =	ssyncset.done $0x0  }
0xf: {  	v0 =	vimm.f32 $1.000000000e+00;
	[sflag:s4] =	ssyncadd.s32 $0xFFFFF000  }
0x10: {  	[tilespmem:$0x1088] =	vst v0  }
0x11: {  	v1 =	vimm.f32 $0.0e+00;
	[tilespmem:$0x1098] =	vst v0  }
0x12: {  	[tilespmem:$0x1018] =	vst v1  }
0x13: {  	[tilespmem:$0x10A8] =	vst v0  }
0x14: {  	[tilespmem:$0x1028] =	vst v1  }
0x15: {  	[tilespmem:$0x10B8] =	vst v0  }
0x16: {  	[tilespmem:$0x1038] =	vst v1  }
0x17: {  	[tilespmem:$0x10C8] =	vst v0  }
0x18: {  	[tilespmem:$0x10D8] =	vst v0  }
0x19: {  	[tilespmem:$0x10E8] =	vst v0  }
0x1a: {  	[tilespmem:$0x10F8] =	vst v0  }
0x1b: {  	s7 =	simm.s32 @!p0 $0x1008;
	[tilespmem:$0x1008] =	vst v1  }
0x1c: {  	[spmem:s6] =	stream.linear.scatter @!p0 [tilespmem:s7], [sflag:$0x1], $0x80, $0x38;
	[tilespmem:$0x1488] =	vst v63  }
0x1d: {  	s7 =	simm.s32 @!p0 $0x1  }
0x1e: {  	_ =	swait.ge @!p0 [sflag:s7], $0x80  }
0x1f: {  	[sflag:s7] =	ssyncset.done @!p0 $0x0  }
0x20: {  	[sflag:s7] =	ssyncadd.s32 @!p0 $0xFFFFFF80  }
0x21: {  	s8 =	simm.s32 $0x1088;
	s7 =	simm.s32 $0x80;
	[bflag:$0x0] =	sbarrier.arrive $0xFFFF  }
0x22: {  	[spmem:s6] =	stream.indirect.scatter.add.f32 [tilespmem:s8], [sflag:$0x1], $0x1, s9, s7, $0xb8;
	[tilespmem:$0x1488] =	vst v63  }
0x23: {  	_ =	swait.ge [sflag:s4], $0x80  }
0x24: {  	[sflag:s4] =	ssyncset.done $0x0  }
0x25: {  	[sflag:s4] =	ssyncadd.s32 $0xFFFFFF80  }
0x26: {  	[spmem:s6] =	stream.indirect.scatter.add.f32 [tilespmem:s8], [sflag:$0x1], $0x1, s7, s7, $0xb8;
	[tilespmem:$0x1488] =	vst v63  }
0x27: {  	_ =	swait.ge [sflag:s4], $0x80  }
0x28: {  	[sflag:s4] =	ssyncset.done $0x0  }
0x29: {  	s22 =	simm.s32 $0x100;
	[sflag:s4] =	ssyncadd.s32 $0xFFFFFF80  }
0x2a: {  	[spmem:s6] =	stream.indirect.scatter.add.f32 [tilespmem:s8], [sflag:$0x1], $0x1, s22, s7, $0xb8;
	[tilespmem:$0x1488] =	vst v63  }
0x2b: {  	_ =	swait.ge [sflag:s4], $0x80  }
0x2c: {  	[sflag:s4] =	ssyncset.done $0x0  }
0x2d: {  	s23 =	simm.s32 $0x180;
	[sflag:s4] =	ssyncadd.s32 $0xFFFFFF80  }
0x2e: {  	[spmem:s6] =	stream.indirect.scatter.add.f32 [tilespmem:s8], [sflag:$0x1], $0x1, s23, s7, $0xb8;
	[tilespmem:$0x1488] =	vst v63  }
0x2f: {  	_ =	swait.ge [sflag:s4], $0x80  }
0x30: {  	[sflag:s4] =	ssyncset.done $0x0  }
0x31: {  	s24 =	simm.s32 $0x200;
	[sflag:s4] =	ssyncadd.s32 $0xFFFFFF80  }
0x32: {  	[spmem:s6] =	stream.indirect.scatter.add.f32 [tilespmem:s8], [sflag:$0x1], $0x1, s24, s7, $0xb8;
	[tilespmem:$0x1488] =	vst v63  }
0x33: {  	_ =	swait.ge [sflag:s4], $0x80  }
0x34: {  	[sflag:s4] =	ssyncset.done $0x0  }
0x35: {  	s25 =	simm.s32 $0x280;
	[sflag:s4] =	ssyncadd.s32 $0xFFFFFF80  }
0x36: {  	[spmem:s6] =	stream.indirect.scatter.add.f32 [tilespmem:s8], [sflag:$0x1], $0x1, s25, s7, $0xb8;
	[tilespmem:$0x1488] =	vst v63  }
0x37: {  	_ =	swait.ge [sflag:s4], $0x80  }
0x38: {  	[sflag:s4] =	ssyncset.done $0x0  }
0x39: {  	s26 =	simm.s32 $0x300;
	[sflag:s4] =	ssyncadd.s32 $0xFFFFFF80  }
0x3a: {  	[spmem:s6] =	stream.indirect.scatter.add.f32 [tilespmem:s8], [sflag:$0x1], $0x1, s26, s7, $0xb8;
	[tilespmem:$0x1488] =	vst v63  }
0x3b: {  	_ =	swait.ge [sflag:s4], $0x80  }
0x3c: {  	[sflag:s4] =	ssyncset.done $0x0  }
0x3d: {  	s28 =	simm.s32 $0x380;
	[sflag:s4] =	ssyncadd.s32 $0xFFFFFF80  }
0x3e: {  	[spmem:s6] =	stream.indirect.scatter.add.f32 [tilespmem:s8], [sflag:$0x1], $0x1, s28, s7, $0xb8;
	[tilespmem:$0x1488] =	vst v63  }
0x3f: {  	_ =	swait.ge [sflag:s4], $0x80  }
0x40: {  	[sflag:s4] =	ssyncset.done $0x0  }
0x41: {  	s29 =	simm.s32 $0x400;
	[sflag:s4] =	ssyncadd.s32 $0xFFFFFF80  }
0x42: {  	[spmem:s6] =	stream.indirect.scatter.add.f32 [tilespmem:s8], [sflag:$0x1], $0x1, s29, s7, $0xb8;
	[tilespmem:$0x1488] =	vst v63  }
0x43: {  	_ =	swait.ge [sflag:s4], $0x80  }
0x44: {  	[sflag:s4] =	ssyncset.done $0x0  }
0x45: {  	s30 =	simm.s32 $0x480;
	[sflag:s4] =	ssyncadd.s32 $0xFFFFFF80  }
0x46: {  	[spmem:s6] =	stream.indirect.scatter.add.f32 [tilespmem:s8], [sflag:$0x1], $0x1, s30, s7, $0xb8;
	[tilespmem:$0x1488] =	vst v63  }
0x47: {  	_ =	swait.ge [sflag:s4], $0x80  }
0x48: {  	[sflag:s4] =	ssyncset.done $0x0  }
0x49: {  	s31 =	simm.s32 $0x500;
	[sflag:s4] =	ssyncadd.s32 $0xFFFFFF80  }
0x4a: {  	[spmem:s6] =	stream.indirect.scatter.add.f32 [tilespmem:s8], [sflag:$0x1], $0x1, s31, s7, $0xb8;
	[tilespmem:$0x1488] =	vst v63  }
0x4b: {  	_ =	swait.ge [sflag:s4], $0x80  }
0x4c: {  	[sflag:s4] =	ssyncset.done $0x0  }
0x4d: {  	s10 =	simm.s32 $0x580;
	[sflag:s4] =	ssyncadd.s32 $0xFFFFFF80  }
0x4e: {  	[spmem:s6] =	stream.indirect.scatter.add.f32 [tilespmem:s8], [sflag:$0x1], $0x1, s10, s7, $0xb8;
	[tilespmem:$0x1488] =	vst v63  }
0x4f: {  	_ =	swait.ge [sflag:s4], $0x80  }
0x50: {  	[sflag:s4] =	ssyncset.done $0x0  }
0x51: {  	s11 =	simm.s32 $0x600;
	[sflag:s4] =	ssyncadd.s32 $0xFFFFFF80  }
0x52: {  	[spmem:s6] =	stream.indirect.scatter.add.f32 [tilespmem:s8], [sflag:$0x1], $0x1, s11, s7, $0xb8;
	[tilespmem:$0x1488] =	vst v63  }
0x53: {  	_ =	swait.ge [sflag:s4], $0x80  }
0x54: {  	[sflag:s4] =	ssyncset.done $0x0  }
0x55: {  	s12 =	simm.s32 $0x680;
	[sflag:s4] =	ssyncadd.s32 $0xFFFFFF80  }
0x56: {  	[spmem:s6] =	stream.indirect.scatter.add.f32 [tilespmem:s8], [sflag:$0x1], $0x1, s12, s7, $0xb8;
	[tilespmem:$0x1488] =	vst v63  }
0x57: {  	_ =	swait.ge [sflag:s4], $0x80  }
0x58: {  	[sflag:s4] =	ssyncset.done $0x0  }
0x59: {  	s13 =	simm.s32 $0x700;
	[sflag:s4] =	ssyncadd.s32 $0xFFFFFF80  }
0x5a: {  	[spmem:s6] =	stream.indirect.scatter.add.f32 [tilespmem:s8], [sflag:$0x1], $0x1, s13, s7, $0xb8;
	[tilespmem:$0x1488] =	vst v63  }
0x5b: {  	_ =	swait.ge [sflag:s4], $0x80  }
0x5c: {  	[sflag:s4] =	ssyncset.done $0x0  }
0x5d: {  	s14 =	simm.s32 $0x780;
	[sflag:s4] =	ssyncadd.s32 $0xFFFFFF80  }
0x5e: {  	[spmem:s6] =	stream.indirect.scatter.add.f32 [tilespmem:s8], [sflag:$0x1], $0x1, s14, s7, $0xb8;
	[tilespmem:$0x1488] =	vst v63  }
0x5f: {  	_ =	swait.ge [sflag:s4], $0x80  }
0x60: {  	[sflag:s4] =	ssyncset.done $0x0  }
0x61: {  	s15 =	simm.s32 $0x800;
	[sflag:s4] =	ssyncadd.s32 $0xFFFFFF80  }
0x62: {  	[spmem:s6] =	stream.indirect.scatter.add.f32 [tilespmem:s8], [sflag:$0x1], $0x1, s15, s7, $0xb8;
	[tilespmem:$0x1488] =	vst v63  }
0x63: {  	_ =	swait.ge [sflag:s4], $0x80  }
0x64: {  	[sflag:s4] =	ssyncset.done $0x0  }
0x65: {  	s16 =	simm.s32 $0x880;
	[sflag:s4] =	ssyncadd.s32 $0xFFFFFF80  }
0x66: {  	[spmem:s6] =	stream.indirect.scatter.add.f32 [tilespmem:s8], [sflag:$0x1], $0x1, s16, s7, $0xb8;
	[tilespmem:$0x1488] =	vst v63  }
0x67: {  	_ =	swait.ge [sflag:s4], $0x80  }
0x68: {  	[sflag:s4] =	ssyncset.done $0x0  }
0x69: {  	s17 =	simm.s32 $0x900;
	[sflag:s4] =	ssyncadd.s32 $0xFFFFFF80  }
0x6a: {  	[spmem:s6] =	stream.indirect.scatter.add.f32 [tilespmem:s8], [sflag:$0x1], $0x1, s17, s7, $0xb8;
	[tilespmem:$0x1488] =	vst v63  }
0x6b: {  	_ =	swait.ge [sflag:s4], $0x80  }
0x6c: {  	[sflag:s4] =	ssyncset.done $0x0  }
0x6d: {  	s18 =	simm.s32 $0x980;
	[sflag:s4] =	ssyncadd.s32 $0xFFFFFF80  }
0x6e: {  	[spmem:s6] =	stream.indirect.scatter.add.f32 [tilespmem:s8], [sflag:$0x1], $0x1, s18, s7, $0xb8;
	[tilespmem:$0x1488] =	vst v63  }
0x6f: {  	_ =	swait.ge [sflag:s4], $0x80  }
0x70: {  	[sflag:s4] =	ssyncset.done $0x0  }
0x71: {  	s19 =	simm.s32 $0xA00;
	[sflag:s4] =	ssyncadd.s32 $0xFFFFFF80  }
0x72: {  	[spmem:s6] =	stream.indirect.scatter.add.f32 [tilespmem:s8], [sflag:$0x1], $0x1, s19, s7, $0xb8;
	[tilespmem:$0x1488] =	vst v63  }
0x73: {  	_ =	swait.ge [sflag:s4], $0x80  }
0x74: {  	[sflag:s4] =	ssyncset.done $0x0  }
0x75: {  	s20 =	simm.s32 $0xA80;
	[sflag:s4] =	ssyncadd.s32 $0xFFFFFF80  }
0x76: {  	[spmem:s6] =	stream.indirect.scatter.add.f32 [tilespmem:s8], [sflag:$0x1], $0x1, s20, s7, $0xb8;
	[tilespmem:$0x1488] =	vst v63  }
0x77: {  	_ =	swait.ge [sflag:s4], $0x80  }
0x78: {  	[sflag:s4] =	ssyncset.done $0x0  }
0x79: {  	s21 =	simm.s32 $0xB00;
	[sflag:s4] =	ssyncadd.s32 $0xFFFFFF80  }
0x7a: {  	[spmem:s6] =	stream.indirect.scatter.add.f32 [tilespmem:s8], [sflag:$0x1], $0x1, s21, s7, $0xb8;
	[tilespmem:$0x1488] =	vst v63  }
0x7b: {  	_ =	swait.ge [sflag:s4], $0x80  }
0x7c: {  	[sflag:s4] =	ssyncset.done $0x0  }
0x7d: {  	s22 =	simm.s32 $0xB80;
	[sflag:s4] =	ssyncadd.s32 $0xFFFFFF80  }
0x7e: {  	[spmem:s6] =	stream.indirect.scatter.add.f32 [tilespmem:s8], [sflag:$0x1], $0x1, s22, s7, $0xb8;
	[tilespmem:$0x1488] =	vst v63  }
0x7f: {  	_ =	swait.ge [sflag:s4], $0x80  }
0x80: {  	[sflag:s4] =	ssyncset.done $0x0  }
0x81: {  	s23 =	simm.s32 $0xC00;
	[sflag:s4] =	ssyncadd.s32 $0xFFFFFF80  }
0x82: {  	[spmem:s6] =	stream.indirect.scatter.add.f32 [tilespmem:s8], [sflag:$0x1], $0x1, s23, s7, $0xb8;
	[tilespmem:$0x1488] =	vst v63  }
0x83: {  	_ =	swait.ge [sflag:s4], $0x80  }
0x84: {  	[sflag:s4] =	ssyncset.done $0x0  }
0x85: {  	s24 =	simm.s32 $0xC80;
	[sflag:s4] =	ssyncadd.s32 $0xFFFFFF80  }
0x86: {  	[spmem:s6] =	stream.indirect.scatter.add.f32 [tilespmem:s8], [sflag:$0x1], $0x1, s24, s7, $0xb8;
	[tilespmem:$0x1488] =	vst v63  }
0x87: {  	_ =	swait.ge [sflag:s4], $0x80  }
0x88: {  	[sflag:s4] =	ssyncset.done $0x0  }
0x89: {  	s25 =	simm.s32 $0xD00;
	[sflag:s4] =	ssyncadd.s32 $0xFFFFFF80  }
0x8a: {  	[spmem:s6] =	stream.indirect.scatter.add.f32 [tilespmem:s8], [sflag:$0x1], $0x1, s25, s7, $0xb8;
	[tilespmem:$0x1488] =	vst v63  }
0x8b: {  	_ =	swait.ge [sflag:s4], $0x80  }
0x8c: {  	[sflag:s4] =	ssyncset.done $0x0  }
0x8d: {  	s26 =	simm.s32 $0xD80;
	[sflag:s4] =	ssyncadd.s32 $0xFFFFFF80  }
0x8e: {  	[spmem:s6] =	stream.indirect.scatter.add.f32 [tilespmem:s8], [sflag:$0x1], $0x1, s26, s7, $0xb8;
	[tilespmem:$0x1488] =	vst v63  }
0x8f: {  	_ =	swait.ge [sflag:s4], $0x80  }
0x90: {  	[sflag:s4] =	ssyncset.done $0x0  }
0x91: {  	s28 =	simm.s32 $0xE00;
	[sflag:s4] =	ssyncadd.s32 $0xFFFFFF80  }
0x92: {  	[spmem:s6] =	stream.indirect.scatter.add.f32 [tilespmem:s8], [sflag:$0x1], $0x1, s28, s7, $0xb8;
	[tilespmem:$0x1488] =	vst v63  }
0x93: {  	_ =	swait.ge [sflag:s4], $0x80  }
0x94: {  	[sflag:s4] =	ssyncset.done $0x0  }
0x95: {  	s29 =	simm.s32 $0xE80;
	[sflag:s4] =	ssyncadd.s32 $0xFFFFFF80  }
0x96: {  	[spmem:s6] =	stream.indirect.scatter.add.f32 [tilespmem:s8], [sflag:$0x1], $0x1, s29, s7, $0xb8;
	[tilespmem:$0x1488] =	vst v63  }
0x97: {  	_ =	swait.ge [sflag:s4], $0x80  }
0x98: {  	[sflag:s4] =	ssyncset.done $0x0  }
0x99: {  	s30 =	simm.s32 $0xF00;
	[sflag:s4] =	ssyncadd.s32 $0xFFFFFF80  }
0x9a: {  	[spmem:s6] =	stream.indirect.scatter.add.f32 [tilespmem:s8], [sflag:$0x1], $0x1, s30, s7, $0xb8;
	[tilespmem:$0x1488] =	vst v63  }
0x9b: {  	_ =	swait.ge [sflag:s4], $0x80  }
0x9c: {  	[sflag:s4] =	ssyncset.done $0x0  }
0x9d: {  	s31 =	simm.s32 $0xF80;
	[sflag:s4] =	ssyncadd.s32 $0xFFFFFF80  }
0x9e: {  	[spmem:s6] =	stream.indirect.scatter.add.f32 [tilespmem:s8], [sflag:$0x1], $0x1, s31, s7, $0xb8;
	[tilespmem:$0x1488] =	vst v63  }
.Ltmp1:
0x9f: {  	_ =	swait.ge [sflag:s4], $0x80;
	(pc) =	sbr.rel @p0 .LBB2_3-.Ltmp1, $3  }
0xa0: {  	[sflag:s4] =	ssyncset.done $0x0  }
0xa1: {  	[sflag:s4] =	ssyncadd.s32 $0xFFFFFF80  }
0xa2: {  	[bflag:$0x0] =	sbarrier.arrive $0xFFFF;
	_ =	sdelay $0x1  }
0xa3: {  	s7 =	simm.s32 $0x1008  }
0xa4: {  	[tilespmem:s7], [sflag:$0x1] =	stream.linear.gather [spmem:s6], $0x80, $0x38;
	[tilespmem:$0x1488] =	vst v63  }
0xa5: {  	_ =	swait.ge [sflag:s4], $0x80  }
0xa6: {  	[sflag:s4] =	ssyncset.done $0x0  }
0xa7: {  	s24 =	simm.s32 $0x0;
	s25 =	simm.s32 $0x1108;
	[sflag:s4] =	ssyncadd.s32 $0xFFFFFF80  }
0xa8: {  	[tilespmem:s25], [sflag:$0x1] =	stream.linear.gather [hbm4b:s5+s24], $0x200, $0x38;
	[tilespmem:$0x1488] =	vst v63  }
0xa9: {  	_ =	swait.ge [sflag:s4], $0x200  }
0xaa: {  	[sflag:s4] =	ssyncset.done $0x0  }
0xab: {  	[sflag:s4] =	ssyncadd.s32 $0xFFFFFE00  }
0xac: {  	v0 =	vld [tilespmem:$0x1008]  }
0xad: {  	v1 =	vld [tilespmem:$0x1108]  }
0xae: {  	v2 =	vld [tilespmem:$0x1018]  }
0xaf: {  	v3 =	vld [tilespmem:$0x1118]  }
0xb0: {  	v4 =	vld [tilespmem:$0x1028]  }
0xb1: {  	v5 =	vld [tilespmem:$0x1128]  }
0xb2: {  	v6 =	vld [tilespmem:$0x1038];
	v0 =	vmul.f32 $1.525878910e-05, v0;
	v1 =	vmul.f32 $1.220703130e-04, v1  }
0xb3: {  	v8 =	vld [tilespmem:$0x1138];
	v2 =	vmul.f32 $1.525878910e-05, v2  }
0xb4: {  	v3 =	vmul.f32 $1.220703130e-04, v3;
	v7 =	vmul.f32 v1, v0  }
0xb5: {  	v4 =	vmul.f32 $1.525878910e-05, v4  }
0xb6: {  	v5 =	vmul.f32 $1.220703130e-04, v5;
	v9 =	vmul.f32 v3, v2;
	v7 =	vadd.f32 $0.0e+00, v7  }
0xb7: {  	v6 =	vmul.f32 $1.525878910e-05, v6  }
0xb8: {  	v8 =	vmul.f32 $1.220703130e-04, v8;
	v10 =	vmul.f32 v5, v4;
	v7 =	vadd.f32 v9, v7;
	_ =	sdelay $0x1  }
0xb9: {  	v61 =	vld [tilespmem:$0x11C8];
	v60 =	vmul.f32 v8, v6;
	v7 =	vadd.f32 v10, v7;
	_ =	sdelay $0x1  }
0xba: {  	v7 =	vadd.f32 v60, v7;
	_ =	sdelay $0x1  }
0xbb: {  	(xrf2) =	vadd.scan.msk.f32 $0xffff, v7  }
0xbc: {  	(xrf2) =	vadd.scan.msk.f32 $0xffff, v61;
	_ =	sdelay $0x8  }
0xbd: {  	v7, _, _ =	vpop (xrf2)  }
0xbe: {  	(v2sf) =	vpush v7, $0xF;
	v62, _, _ =	vpop (xrf2)  }
0xbf: {  	(v2sf) =	vpush v62, $0xF;
	_ =	sdelay $0xd  }
0xc0: {  	s26 =	spop (v2sf)  }
0xc1: {  	[tilespmem:$0x1308] =	vst v0;
	s28 =	spop (v2sf)  }
0xc2: {  	[tilespmem:$0x1388] =	vst v1;
	s7 =	smul.f32 $1.220703130e-04, s28  }
0xc3: {  	[tilespmem:$0x1318] =	vst v2;
	s5 =	smul.f32 $6.400000000e+01, s26  }
0xc4: {  	[tilespmem:$0x1398] =	vst v3;
	s8 =	smul.f32 $1.000000050e-03, s7  }
0xc5: {  	vm0 =	vcmask $0x300;
	[tilespmem:$0x1328] =	vst v4;
	v63 =	vmov s5  }
0xc6: {  	vm14 =	vcmask $0x704;
	[tilespmem:$0x13A8] =	vst v5;
	v0 =	vnsel vm0, $0x0, v63;
	s5 =	sadd.f32 s8, s5  }
0xc7: {  	vm15 =	vcmask $0xB08;
	[tilespmem:$0x1338] =	vst v6;
	v0 =	vsel vm14, s7, v0  }
0xc8: {  	[tilespmem:$0x13B8] =	vst v8;
	v0 =	vsel vm15, s5, v0  }
0xc9: {  	s29 =	simm.s32 $0x1308;
	[tilespmem:$0x1408] =	vst v0  }
0xca: {  	[hbm4b:s3+s24] =	stream.linear.scatter [tilespmem:s29], [sflag:$0x1], $0x80, $0x38;
	[tilespmem:$0x1488] =	vst v63  }
0xcb: {  	_ =	swait.ge [sflag:s4], $0x80  }
0xcc: {  	[sflag:s4] =	ssyncset.done $0x0  }
0xcd: {  	s30 =	simm.s32 $0x1388;
	[sflag:s4] =	ssyncadd.s32 $0xFFFFFF80  }
0xce: {  	[hbm4b:s2+s24] =	stream.linear.scatter [tilespmem:s30], [sflag:$0x1], $0x80, $0x38;
	[tilespmem:$0x1488] =	vst v63  }
0xcf: {  	_ =	swait.ge [sflag:s4], $0x80  }
0xd0: {  	[sflag:s4] =	ssyncset.done $0x0  }
0xd1: {  	s31 =	simm.s32 $0x1408;
	[sflag:s4] =	ssyncadd.s32 $0xFFFFFF80  }
0xd2: {  	[hbm4b:s1+s24] =	stream.linear.scatter [tilespmem:s31], [sflag:$0x1], $0x80, $0x38;
	[tilespmem:$0x1488] =	vst v63  }
0xd3: {  	_ =	swait.ge [sflag:s4], $0x80  }
0xd4: {  	[sflag:s4] =	ssyncset.done $0x0  }
0xd5: {  	[sflag:s4] =	ssyncadd.s32 $0xFFFFFF80  }
.LBB2_3:
0xd6: {  	_ =	sfence.sel $0x180000  }
0xd7: {  	[bflag:$0x0] =	sbarrier.arrive $0xFFFF  }
0xd8: {  	_ =	strace $0x90000047  }
0xd9: {  	s0 =	sadd.s32 @!p0 $0x100000, s0;
	[bflag:$0x2] =	sbarrier.arrive $0xFFFF  }
0xda: {  	[sflag:s0] =	ssyncadd.tile.s32 @!p0 $0x1;
	_ =	shalt  }
.Lfunc_end2:
_tile_overlayer_lowered:
.L_overlay_start_2:
0xdb: {  	(tag) =	ssettag $0x2  }
0xdc: {  	s0 =	rddreg [dreg:$0x0];
	s2 =	stileid.u32  }
0xdd: {  	s1 =	rddreg [dreg:$0x1];
	p0 =	sne.s32 s2, $0x0  }
0xde: {  	s3 =	rddreg [dreg:$0x2];
	[bflag:$0x3] =	sbarrier.arrive $0xFFFF;
	s2 =	simm.s32 @!p0 $0x1C01  }
0xdf: {  	[timem:s3], [sflag:s2] =	dma.local @!p0 [hbm:s0], s1  }
0xe0: {  	s0 =	simm.s32 @!p0 $0x1  }
0xe1: {  	_ =	swait.ge @!p0 [sflag:s0], s1  }
0xe2: {  	s1 =	ssub.s32 @!p0 $0x0, s1;
	[sflag:s0] =	ssyncset.done @!p0 $0x0  }
0xe3: {  	[sflag:s0] =	ssyncadd.s32 @!p0 s1  }
0xe4: {  	[bflag:$0x3] =	sbarrier.arrive $0xFFFF  }
0xe5: {  	_ =	shalt  }

</sc_bundles>
